<compile_context>
chip_gen: v7x
topology: tpu7x:2x2x1
jax: 0.10.2.dev20260603
libtpu: 0.0.44.dev20260713+nightly
codegen_flags: <defaults>
</compile_context>

<pallas_src>
import functools
import numpy as np
import jax
import jax.numpy as jnp
from jax import lax
from jax.experimental import pallas as pl
from jax.experimental.pallas import tpu as pltpu
from jax.experimental.pallas import tpu_sc as plsc

K = 15
P = 3
IN_CH = 128
NQ = 2
NS = 2
KP_EXTENT = 1.2
RADIUS = 2.5
N = 10000
H = 16
TBL_C = 256
NW = 32
CHUNK = 128
N_PAD = 10240
BPW = 5120
E_PAD = NW * BPW
NCHUNK = BPW // CHUNK
B = 200
QD_C = 21 + 3 * 36


def _kp_np():
    rng = np.random.RandomState(42)
    kp = rng.uniform(-1.0, 1.0, size=(K, P)).astype(np.float32)
    kp = kp / np.maximum(np.linalg.norm(kp, axis=1, keepdims=True), 1e-6)
    kp = kp * rng.uniform(0.3, 1.0, size=(K, 1)).astype(np.float32) * RADIUS
    kp[0, :] = 0.0
    return kp


_KP = _kp_np()
_KPR = [np.concatenate([_KP[:, r], _KP[:, r]]).astype(np.float32) for r in range(P)]


def _sc_gather(table, idx):
    mesh = plsc.VectorSubcoreMesh(core_axis_name="c", subcore_axis_name="s")

    @functools.partial(
        pl.kernel,
        mesh=mesh,
        out_type=jax.ShapeDtypeStruct((E_PAD, TBL_C), jnp.float32),
        scratch_types=[
            pltpu.VMEM((CHUNK,), jnp.int32),
            pltpu.VMEM((CHUNK,), jnp.int32),
            pltpu.VMEM((CHUNK, TBL_C), jnp.float32),
            pltpu.VMEM((CHUNK, TBL_C), jnp.float32),
            pltpu.SemaphoreType.DMA,
            pltpu.SemaphoreType.DMA,
        ],
    )
    def gk(table_hbm, idx_hbm, out_hbm, idx_a, idx_b, rows_a, rows_b, sem_a, sem_b):
        wid = lax.axis_index("s") * 2 + lax.axis_index("c")
        base = wid * BPW

        def fire(idx_v, rows_v, sem, j):
            off = base + j * CHUNK
            pltpu.sync_copy(idx_hbm.at[pl.ds(off, CHUNK)], idx_v)
            pltpu.async_copy(table_hbm.at[idx_v], rows_v, sem)

        def drain(rows_v, sem, j):
            off = base + j * CHUNK
            pltpu.make_async_copy(table_hbm.at[pl.ds(0, CHUNK)], rows_v, sem).wait()
            pltpu.sync_copy(rows_v, out_hbm.at[pl.ds(off, CHUNK)])

        fire(idx_a, rows_a, sem_a, 0)

        def body(jj, carry):
            j0 = jj * 2
            fire(idx_b, rows_b, sem_b, j0 + 1)
            drain(rows_a, sem_a, j0)

            @pl.when(jj < NCHUNK // 2 - 1)
            def _():
                fire(idx_a, rows_a, sem_a, j0 + 2)

            drain(rows_b, sem_b, j0 + 1)
            return carry

        lax.fori_loop(0, NCHUNK // 2, body, 0)

    return gk(table, idx)


def _tc_body(gh_ref, qd_ref, wcat_ref, bvec_ref, bias_ref, kpr_ref, o_ref):
    gh = gh_ref[...]
    qd = qd_ref[...]
    d = gh[:, :, 146:149] - qd[None, :, 0:3]
    als = []
    for q in range(NQ):
        a = d[:, :, 0:1] * qd[None, :, 3 + q * 9 + 0:3 + q * 9 + 3]
        for p in range(1, P):
            a = a + d[:, :, p:p + 1] * qd[None, :, 3 + q * 9 + p * 3:3 + q * 9 + (p + 1) * 3]
        als.append(a)
    al = jnp.concatenate(als, axis=2)
    sq = None
    for r in range(P):
        alx = jnp.concatenate(
            [jnp.broadcast_to(al[:, :, r:r + 1], (H, B, K)),
             jnp.broadcast_to(al[:, :, 3 + r:4 + r], (H, B, K))], axis=2)
        diff = alx - kpr_ref[...][r:r + 1, :][None]
        sq = diff * diff if sq is None else sq + diff * diff
    w = jnp.maximum(1.0 - jnp.sqrt(sq) * (1.0 / KP_EXTENT), 0.0)
    aw = w[:, :, :K] + w[:, :, K:]
    S = gh[:, :, 128:146]
    alrf = None
    for p in range(P):
        pieces = []
        for s in range(NS):
            sl = S[:, :, s * 9 + p * 3:s * 9 + (p + 1) * 3]
            pieces += [sl, sl, sl]
        e18 = jnp.concatenate(pieces, axis=2)
        sbig = jnp.concatenate([e18, e18], axis=2)
        rbig = qd[None, :, 21 + p * 36:21 + (p + 1) * 36]
        alrf = rbig * sbig if alrf is None else alrf + rbig * sbig
    feats = jnp.concatenate([gh[:, :, 0:128], alrf], axis=2)
    acc = jnp.dot(jnp.sum(aw, axis=0), bvec_ref[...],
                  preferred_element_type=jnp.float32)
    for k in range(K):
        wk = aw[:, :, k:k + 1] * feats
        wks = jnp.sum(wk, axis=0)
        acc = acc + jnp.dot(wks, wcat_ref[k], preferred_element_type=jnp.float32)
    outv = acc + bias_ref[...]
    o_ref[...] = jnp.where(outv >= 0.0, outv, 0.1 * outv)


def kernel(q_pts, s_pts, neighb_inds, x, q_lrf, s_lrf, weights, lrf_W, lrf_b, bias):
    table = jnp.concatenate(
        [x, s_lrf.reshape(N, NS * 9), s_pts,
         jnp.zeros((N, TBL_C - IN_CH - NS * 9 - P), jnp.float32)], axis=1)
    flat_idx = jnp.pad(neighb_inds.T.astype(jnp.int32),
                       ((0, 0), (0, N_PAD - N))).reshape(-1)

    rl = q_lrf.reshape(N, NQ * 9)
    rbigs = [jnp.broadcast_to(q_lrf[:, :, None, p, :, None],
                              (N, NQ, NS, P, P)).reshape(N, 36)
             for p in range(P)]
    qd2 = jnp.concatenate([q_pts, rl] + rbigs, axis=1)

    bw = jnp.zeros((2 * NS * 9, IN_CH), jnp.float32)
    bw = bw.at[0:18, 0:64].set(lrf_W).at[18:36, 64:128].set(lrf_W)
    wbot = weights[:, IN_CH:, :]
    wcat = jnp.concatenate(
        [weights[:, :IN_CH, :], jnp.einsum('fe,keo->kfo', bw, wbot)], axis=1)
    b2 = jnp.concatenate([lrf_b, lrf_b])
    bvec = jnp.einsum('e,keo->ko', b2, wbot)

    g = _sc_gather(table, flat_idx)
    gh = g.reshape(H, N_PAD, TBL_C)

    out = pl.pallas_call(
        _tc_body,
        grid=(N // B,),
        in_specs=[
            pl.BlockSpec((H, B, TBL_C), lambda i: (0, i, 0)),
            pl.BlockSpec((B, QD_C), lambda i: (i, 0)),
            pl.BlockSpec((K, 164, 128), lambda i: (0, 0, 0)),
            pl.BlockSpec((K, 128), lambda i: (0, 0)),
            pl.BlockSpec((1, 128), lambda i: (0, 0)),
            pl.BlockSpec((P, 2 * K), lambda i: (0, 0)),
        ],
        out_specs=pl.BlockSpec((B, 128), lambda i: (i, 0)),
        out_shape=jax.ShapeDtypeStruct((N, 128), jnp.float32),
    )(gh, qd2, wcat, bvec, bias[None, :], jnp.asarray(np.stack(_KPR)))
    return out

# --- scband reference (transcript-rebuilt; emitter-appended) ---
"""Pipeline reference for scband-simple-block-35725537968379 (READ-ONLY COPY).

The authoritative reference and input builder live on the scoring server;
editing this copy changes nothing except your own understanding.
"""

import jax, jax.numpy as jnp
import numpy as np

K = 15
P_DIM = 3
IN_CH = 128
OUT_CH = 128
NQ_LRF = 2
NS_LRF = 2
KP_EXTENT = 1.2
RADIUS = 2.5
N_PTS = 10000
N_NEIGHB = 16


def _kernel_points():
    rng = np.random.RandomState(42)
    kp = rng.uniform(-1.0, 1.0, size=(K, P_DIM)).astype(np.float32)
    kp = kp / np.maximum(np.linalg.norm(kp, axis=1, keepdims=True), 1e-6)
    kp = kp * rng.uniform(0.3, 1.0, size=(K, 1)).astype(np.float32) * RADIUS
    kp[0, :] = 0.0  # fixed 'center' kernel point
    return jnp.asarray(kp)


def setup_inputs(seed: int = 0) -> dict:
    key = jax.random.key(seed)
    ks = jax.random.split(key, 10)
    N, H = N_PTS, N_NEIGHB
    q_pts = jax.random.normal(ks[0], (N, P_DIM), jnp.float32)
    s_pts = jax.random.normal(ks[1], (N, P_DIM), jnp.float32)
    neighb_inds = jax.random.randint(ks[2], (N, H), 0, N)
    x = jax.random.normal(ks[3], (N, IN_CH), jnp.float32)

    def orth(k):
        m = jax.random.normal(k, (N, NQ_LRF, P_DIM, P_DIM), jnp.float32)
        q, _ = jnp.linalg.qr(m)
        return q

    q_lrf = orth(ks[4])
    s_lrf = orth(ks[5])
    fdim = 2 * IN_CH
    weights = jax.random.normal(ks[6], (K, fdim, OUT_CH), jnp.float32) * (1.0 / np.sqrt(fdim))
    lrf_W = jax.random.normal(ks[7], (NS_LRF * P_DIM * P_DIM, IN_CH // NQ_LRF), jnp.float32) * 0.1
    lrf_b = jnp.zeros((IN_CH // NQ_LRF,), jnp.float32)
    bias = jnp.zeros((OUT_CH,), jnp.float32)
    return {"q_pts": q_pts, "s_pts": s_pts, "neighb_inds": neighb_inds, "x": x,
            "q_lrf": q_lrf, "s_lrf": s_lrf, "weights": weights,
            "lrf_W": lrf_W, "lrf_b": lrf_b, "bias": bias}


def reference(q_pts, s_pts, neighb_inds, x, q_lrf, s_lrf, weights, lrf_W, lrf_b, bias):
    kernel_points = _kernel_points()
    N, H = neighb_inds.shape
    # pad support points with a far-away shadow point
    s_pts_pad = jnp.concatenate([s_pts, jnp.zeros_like(s_pts[:1, :]) + 1.0e6], axis=0)
    neighbors = s_pts_pad[neighb_inds, :] - q_pts[:, None, :]            # [N,H,3]
    neighbors = neighbors[:, None, :, :]                                  # [N,1,H,3]
    q_lrf_d = jax.lax.stop_gradient(q_lrf)                                # detached LRFs
    aligned_neighbors = jnp.matmul(neighbors, q_lrf_d)                    # [N,nq,H,3]
    aligned_neighbors = aligned_neighbors[:, :, :, None, :]               # [N,nq,H,1,3]
    diff = aligned_neighbors - kernel_points[None, None, None, :, :]      # MSELoss(reduction='none')
    sq_distances = jnp.sum(diff * diff, axis=-1)                          # [N,nq,H,K]
    # gather neighbor LRFs (padded with zeros)
    s_lrf_pad = jnp.concatenate([s_lrf, jnp.zeros_like(s_lrf[:1])], axis=0)
    neighbors_lrf = s_lrf_pad[neighb_inds]                                # [N,H,ns,3,3]
    neighbors_lrf = neighbors_lrf[:, :, None, :, :, :]                    # [N,H,1,ns,3,3]
    tmp_lrf = q_lrf_d[:, None, :, None, :, :]                             # [N,1,nq,1,3,3]
    x_ = jnp.swapaxes(tmp_lrf, -2, -1)[..., None]                         # [N,1,nq,1,3,3,1]
    y_ = neighbors_lrf[..., None, :, :]                                   # [N,H,1,ns,1,3,3]
    aligned_lrf = (x_ * y_).sum(-2)                                       # [N,H,nq,ns,3,3]
    aligned_lrf = aligned_lrf.reshape(N, H, NQ_LRF, NS_LRF * P_DIM * P_DIM)
    lrf_features = aligned_lrf @ lrf_W + lrf_b                            # [N,H,nq,C_lrf]
    neighb_mask = (neighb_inds < s_pts_pad.shape[0] - 1).astype(jnp.float32)
    lrf_features = lrf_features * neighb_mask[:, :, None, None]
    # linear KP influence
    all_weights = jnp.clip(1.0 - jnp.sqrt(sq_distances) / KP_EXTENT, 0.0)  # [N,nq,H,K]
    all_weights = jnp.swapaxes(all_weights, 2, 3)                          # [N,nq,K,H]
    all_weights = all_weights.sum(axis=1)                                  # sum aggregation over LRFs -> [N,K,H]
    # gather neighbor features (padded with zeros)
    x_pad = jnp.concatenate([x, jnp.zeros_like(x[:1, :])], axis=0)
    neighb_x = x_pad[neighb_inds]                                          # [N,H,in]
    feats = jnp.concatenate([neighb_x, lrf_features.reshape(N, H, -1)], axis=-1)  # [N,H,2*in]
    weighted = jnp.matmul(all_weights, feats)                              # [N,K,fdim]
    out = jnp.einsum('nkf,kfo->no', weighted, weights)                     # [N,out]
    # BatchNormBlock with use_bn=False -> bias add; SimpleBlock leaky relu
    out = out + bias
    return jax.nn.leaky_relu(out, 0.1)

if __name__ == "__main__":
    import jax
    _d = setup_inputs()
    print(jax.jit(kernel)(*tuple(_d.values())))

</pallas_src>

<mosaic_0001>
#map = affine_map<(d0, d1) -> (0, 0)>
#map1 = affine_map<(d0, d1) -> (0)>
module attributes {stable_mosaic.version = 14 : i64} {
  func.func @gk(%arg0: i32, %arg1: i32, %arg2: memref<10000x256xf32, #tpu.memory_space<hbm>>, %arg3: memref<163840xi32, #tpu.memory_space<hbm>>, %arg4: memref<163840x256xf32, #tpu.memory_space<hbm>>, %arg5: memref<128xi32, #tpu.memory_space<vmem>>, %arg6: memref<128xi32, #tpu.memory_space<vmem>>, %arg7: memref<128x256xf32, #tpu.memory_space<vmem>>, %arg8: memref<128x256xf32, #tpu.memory_space<vmem>>, %arg9: memref<!tpu.dma_semaphore, #tpu.memory_space<semaphore_mem>>, %arg10: memref<!tpu.dma_semaphore, #tpu.memory_space<semaphore_mem>>) attributes {dimension_semantics = [#tpu.dimension_semantics<core_parallel>, #tpu.dimension_semantics<subcore_parallel>], iteration_bounds = array<i64: 2, 16>, scalar_prefetch = 0 : i64, scratch_operands = 6 : i64, tpu.core_type = #tpu.core_type<sc_vector_subcore>, window_params = [{transform_indices = #map}, {transform_indices = #map1}, {transform_indices = #map}]} {
    %mul3A = arith.constant 2 : i32
    %mul3A_0 = arith.muli %arg1, %mul3A : i32
    %add3A = arith.addi %mul3A_0, %arg0 : i32
    %mul3A_1 = arith.constant 5120 : i32
    %mul3A_2 = arith.muli %add3A, %mul3A_1 : i32
    %add3A_3 = arith.constant 0 : i32
    %add3A_4 = arith.addi %mul3A_2, %add3A_3 : i32
    "tpu.region"() ({
      %run_scoped3A = tpu.sem_alloc : memref<!tpu.dma_semaphore, #tpu.memory_space<semaphore_mem>>
      %dma_start3A_12 = tpu.memref_slice %arg3[%add3A_4] : memref<163840xi32, #tpu.memory_space<hbm>> -> memref<128xi32, #tpu.memory_space<hbm>>
      %dma_start3A_13 = tpu.memref_slice %arg3[%add3A_4] : memref<163840xi32, #tpu.memory_space<hbm>> -> memref<128xi32, #tpu.memory_space<hbm>>
      tpu.enqueue_dma source(%dma_start3A_13 : memref<128xi32, #tpu.memory_space<hbm>>) target(%arg5 : memref<128xi32, #tpu.memory_space<vmem>>) target_semaphore(%run_scoped3A : memref<!tpu.dma_semaphore, #tpu.memory_space<semaphore_mem>>)
      %dma_wait3A = tpu.memref_slice %arg3[%add3A_4] : memref<163840xi32, #tpu.memory_space<hbm>> -> memref<128xi32, #tpu.memory_space<hbm>>
      %dma_wait3A_14 = tpu.memref_slice %arg3[%add3A_4] : memref<163840xi32, #tpu.memory_space<hbm>> -> memref<128xi32, #tpu.memory_space<hbm>>
      tpu.wait_dma2 semaphore(%run_scoped3A : memref<!tpu.dma_semaphore, #tpu.memory_space<semaphore_mem>>) src(%dma_wait3A_14 : memref<128xi32, #tpu.memory_space<hbm>>) dst(%arg5 : memref<128xi32, #tpu.memory_space<vmem>>)
      tpu.yield
    }) : () -> ()
    %dma_start3A = arith.constant 0 : i32
    %dma_start3A_5 = arith.constant 0 : i32
    %dma_start3A_6 = tpu.memref_slice %arg2[%dma_start3A, %dma_start3A_5] : memref<10000x256xf32, #tpu.memory_space<hbm>> -> memref<10000x256xf32, #tpu.memory_space<hbm>>
    tpu.enqueue_indirect_dma source(%dma_start3A_6 : memref<10000x256xf32, #tpu.memory_space<hbm>>) target(%arg7 : memref<128x256xf32, #tpu.memory_space<vmem>>) offsets(%arg5 : memref<128xi32, #tpu.memory_space<vmem>>) semaphore(%arg9 : memref<!tpu.dma_semaphore, #tpu.memory_space<semaphore_mem>>)
    %scan3A = arith.constant 0 : i32
    %scan3A_7 = arith.constant 0 : i32
    %scan3A_8 = arith.constant 20 : i32
    %scan3A_9 = arith.addi %scan3A_7, %scan3A_8 : i32
    %scan3A_10 = arith.constant 1 : i32
    scf.for %scan3A_12 = %scan3A_7 to %scan3A_9 step %scan3A_10  : i32 {
      %mul3A_13 = arith.constant 2 : i32
      %mul3A_14 = arith.muli %scan3A_12, %mul3A_13 : i32
      %add3A_15 = arith.constant 1 : i32
      %add3A_16 = arith.addi %mul3A_14, %add3A_15 : i32
      %mul3A_17 = arith.constant 128 : i32
      %mul3A_18 = arith.muli %add3A_16, %mul3A_17 : i32
      %add3A_19 = arith.addi %mul3A_2, %mul3A_18 : i32
      "tpu.region"() ({
        %run_scoped3A = tpu.sem_alloc : memref<!tpu.dma_semaphore, #tpu.memory_space<semaphore_mem>>
        %dma_start3A_44 = tpu.memref_slice %arg3[%add3A_19] : memref<163840xi32, #tpu.memory_space<hbm>> -> memref<128xi32, #tpu.memory_space<hbm>>
        %dma_start3A_45 = tpu.memref_slice %arg3[%add3A_19] : memref<163840xi32, #tpu.memory_space<hbm>> -> memref<128xi32, #tpu.memory_space<hbm>>
        tpu.enqueue_dma source(%dma_start3A_45 : memref<128xi32, #tpu.memory_space<hbm>>) target(%arg6 : memref<128xi32, #tpu.memory_space<vmem>>) target_semaphore(%run_scoped3A : memref<!tpu.dma_semaphore, #tpu.memory_space<semaphore_mem>>)
        %dma_wait3A_46 = tpu.memref_slice %arg3[%add3A_19] : memref<163840xi32, #tpu.memory_space<hbm>> -> memref<128xi32, #tpu.memory_space<hbm>>
        %dma_wait3A_47 = tpu.memref_slice %arg3[%add3A_19] : memref<163840xi32, #tpu.memory_space<hbm>> -> memref<128xi32, #tpu.memory_space<hbm>>
        tpu.wait_dma2 semaphore(%run_scoped3A : memref<!tpu.dma_semaphore, #tpu.memory_space<semaphore_mem>>) src(%dma_wait3A_47 : memref<128xi32, #tpu.memory_space<hbm>>) dst(%arg6 : memref<128xi32, #tpu.memory_space<vmem>>)
        tpu.yield
      }) : () -> ()
      %dma_start3A_20 = arith.constant 0 : i32
      %dma_start3A_21 = arith.constant 0 : i32
      %dma_start3A_22 = tpu.memref_slice %arg2[%dma_start3A_20, %dma_start3A_21] : memref<10000x256xf32, #tpu.memory_space<hbm>> -> memref<10000x256xf32, #tpu.memory_space<hbm>>
      tpu.enqueue_indirect_dma source(%dma_start3A_22 : memref<10000x256xf32, #tpu.memory_space<hbm>>) target(%arg8 : memref<128x256xf32, #tpu.memory_space<vmem>>) offsets(%arg6 : memref<128xi32, #tpu.memory_space<vmem>>) semaphore(%arg10 : memref<!tpu.dma_semaphore, #tpu.memory_space<semaphore_mem>>)
      %mul3A_23 = arith.constant 128 : i32
      %mul3A_24 = arith.muli %mul3A_14, %mul3A_23 : i32
      %add3A_25 = arith.addi %mul3A_2, %mul3A_24 : i32
      %dma_wait3A = arith.constant 0 : i32
      %dma_wait3A_26 = arith.constant 0 : i32
      %dma_wait3A_27 = tpu.memref_slice %arg2[%dma_wait3A, %dma_wait3A_26] : memref<10000x256xf32, #tpu.memory_space<hbm>> -> memref<128x256xf32, #tpu.memory_space<hbm>>
      %dma_wait3A_28 = arith.constant 0 : i32
      %dma_wait3A_29 = arith.constant 0 : i32
      %dma_wait3A_30 = tpu.memref_slice %arg2[%dma_wait3A_28, %dma_wait3A_29] : memref<10000x256xf32, #tpu.memory_space<hbm>> -> memref<128x256xf32, #tpu.memory_space<hbm>>
      tpu.wait_dma2 semaphore(%arg9 : memref<!tpu.dma_semaphore, #tpu.memory_space<semaphore_mem>>) src(%dma_wait3A_30 : memref<128x256xf32, #tpu.memory_space<hbm>>) dst(%arg7 : memref<128x256xf32, #tpu.memory_space<vmem>>)
      "tpu.region"() ({
        %run_scoped3A = tpu.sem_alloc : memref<!tpu.dma_semaphore, #tpu.memory_space<semaphore_mem>>
        %dma_start3A_44 = arith.constant 0 : i32
        %dma_start3A_45 = tpu.memref_slice %arg4[%add3A_25, %dma_start3A_44] : memref<163840x256xf32, #tpu.memory_space<hbm>> -> memref<128x256xf32, #tpu.memory_space<hbm>>
        %dma_start3A_46 = arith.constant 0 : i32
        %dma_start3A_47 = tpu.memref_slice %arg4[%add3A_25, %dma_start3A_46] : memref<163840x256xf32, #tpu.memory_space<hbm>> -> memref<128x256xf32, #tpu.memory_space<hbm>>
        tpu.enqueue_dma source(%arg7 : memref<128x256xf32, #tpu.memory_space<vmem>>) target(%dma_start3A_47 : memref<128x256xf32, #tpu.memory_space<hbm>>) target_semaphore(%run_scoped3A : memref<!tpu.dma_semaphore, #tpu.memory_space<semaphore_mem>>)
        %dma_wait3A_48 = arith.constant 0 : i32
        %dma_wait3A_49 = tpu.memref_slice %arg4[%add3A_25, %dma_wait3A_48] : memref<163840x256xf32, #tpu.memory_space<hbm>> -> memref<128x256xf32, #tpu.memory_space<hbm>>
        %dma_wait3A_50 = arith.constant 0 : i32
        %dma_wait3A_51 = tpu.memref_slice %arg4[%add3A_25, %dma_wait3A_50] : memref<163840x256xf32, #tpu.memory_space<hbm>> -> memref<128x256xf32, #tpu.memory_space<hbm>>
        tpu.wait_dma2 semaphore(%run_scoped3A : memref<!tpu.dma_semaphore, #tpu.memory_space<semaphore_mem>>) src(%arg7 : memref<128x256xf32, #tpu.memory_space<vmem>>) dst(%dma_wait3A_51 : memref<128x256xf32, #tpu.memory_space<hbm>>)
        tpu.yield
      }) : () -> ()
      %lt3A = arith.constant 19 : i32
      %lt3A_31 = arith.cmpi slt, %scan3A_12, %lt3A : i32
      %convert_element_type3A = arith.extui %lt3A_31 : i1 to i32
      %cond3A = arith.constant 0 : i32
      %cond3A_32 = arith.cmpi ne, %convert_element_type3A, %cond3A : i32
      scf.if %cond3A_32 {
        %add3A_44 = arith.constant 2 : i32
        %add3A_45 = arith.addi %mul3A_14, %add3A_44 : i32
        %mul3A_46 = arith.constant 128 : i32
        %mul3A_47 = arith.muli %add3A_45, %mul3A_46 : i32
        %add3A_48 = arith.addi %mul3A_2, %mul3A_47 : i32
        "tpu.region"() ({
          %run_scoped3A = tpu.sem_alloc : memref<!tpu.dma_semaphore, #tpu.memory_space<semaphore_mem>>
          %dma_start3A_52 = tpu.memref_slice %arg3[%add3A_48] : memref<163840xi32, #tpu.memory_space<hbm>> -> memref<128xi32, #tpu.memory_space<hbm>>
          %dma_start3A_53 = tpu.memref_slice %arg3[%add3A_48] : memref<163840xi32, #tpu.memory_space<hbm>> -> memref<128xi32, #tpu.memory_space<hbm>>
          tpu.enqueue_dma source(%dma_start3A_53 : memref<128xi32, #tpu.memory_space<hbm>>) target(%arg5 : memref<128xi32, #tpu.memory_space<vmem>>) target_semaphore(%run_scoped3A : memref<!tpu.dma_semaphore, #tpu.memory_space<semaphore_mem>>)
          %dma_wait3A_54 = tpu.memref_slice %arg3[%add3A_48] : memref<163840xi32, #tpu.memory_space<hbm>> -> memref<128xi32, #tpu.memory_space<hbm>>
          %dma_wait3A_55 = tpu.memref_slice %arg3[%add3A_48] : memref<163840xi32, #tpu.memory_space<hbm>> -> memref<128xi32, #tpu.memory_space<hbm>>
          tpu.wait_dma2 semaphore(%run_scoped3A : memref<!tpu.dma_semaphore, #tpu.memory_space<semaphore_mem>>) src(%dma_wait3A_55 : memref<128xi32, #tpu.memory_space<hbm>>) dst(%arg5 : memref<128xi32, #tpu.memory_space<vmem>>)
          tpu.yield
        }) : () -> ()
        %dma_start3A_49 = arith.constant 0 : i32
        %dma_start3A_50 = arith.constant 0 : i32
        %dma_start3A_51 = tpu.memref_slice %arg2[%dma_start3A_49, %dma_start3A_50] : memref<10000x256xf32, #tpu.memory_space<hbm>> -> memref<10000x256xf32, #tpu.memory_space<hbm>>
        tpu.enqueue_indirect_dma source(%dma_start3A_51 : memref<10000x256xf32, #tpu.memory_space<hbm>>) target(%arg7 : memref<128x256xf32, #tpu.memory_space<vmem>>) offsets(%arg5 : memref<128xi32, #tpu.memory_space<vmem>>) semaphore(%arg9 : memref<!tpu.dma_semaphore, #tpu.memory_space<semaphore_mem>>)
      } else {
      }
      %add3A_33 = arith.constant 1 : i32
      %add3A_34 = arith.addi %mul3A_14, %add3A_33 : i32
      %mul3A_35 = arith.constant 128 : i32
      %mul3A_36 = arith.muli %add3A_34, %mul3A_35 : i32
      %add3A_37 = arith.addi %mul3A_2, %mul3A_36 : i32
      %dma_wait3A_38 = arith.constant 0 : i32
      %dma_wait3A_39 = arith.constant 0 : i32
      %dma_wait3A_40 = tpu.memref_slice %arg2[%dma_wait3A_38, %dma_wait3A_39] : memref<10000x256xf32, #tpu.memory_space<hbm>> -> memref<128x256xf32, #tpu.memory_space<hbm>>
      %dma_wait3A_41 = arith.constant 0 : i32
      %dma_wait3A_42 = arith.constant 0 : i32
      %dma_wait3A_43 = tpu.memref_slice %arg2[%dma_wait3A_41, %dma_wait3A_42] : memref<10000x256xf32, #tpu.memory_space<hbm>> -> memref<128x256xf32, #tpu.memory_space<hbm>>
      tpu.wait_dma2 semaphore(%arg10 : memref<!tpu.dma_semaphore, #tpu.memory_space<semaphore_mem>>) src(%dma_wait3A_43 : memref<128x256xf32, #tpu.memory_space<hbm>>) dst(%arg8 : memref<128x256xf32, #tpu.memory_space<vmem>>)
      "tpu.region"() ({
        %run_scoped3A = tpu.sem_alloc : memref<!tpu.dma_semaphore, #tpu.memory_space<semaphore_mem>>
        %dma_start3A_44 = arith.constant 0 : i32
        %dma_start3A_45 = tpu.memref_slice %arg4[%add3A_37, %dma_start3A_44] : memref<163840x256xf32, #tpu.memory_space<hbm>> -> memref<128x256xf32, #tpu.memory_space<hbm>>
        %dma_start3A_46 = arith.constant 0 : i32
        %dma_start3A_47 = tpu.memref_slice %arg4[%add3A_37, %dma_start3A_46] : memref<163840x256xf32, #tpu.memory_space<hbm>> -> memref<128x256xf32, #tpu.memory_space<hbm>>
        tpu.enqueue_dma source(%arg8 : memref<128x256xf32, #tpu.memory_space<vmem>>) target(%dma_start3A_47 : memref<128x256xf32, #tpu.memory_space<hbm>>) target_semaphore(%run_scoped3A : memref<!tpu.dma_semaphore, #tpu.memory_space<semaphore_mem>>)
        %dma_wait3A_48 = arith.constant 0 : i32
        %dma_wait3A_49 = tpu.memref_slice %arg4[%add3A_37, %dma_wait3A_48] : memref<163840x256xf32, #tpu.memory_space<hbm>> -> memref<128x256xf32, #tpu.memory_space<hbm>>
        %dma_wait3A_50 = arith.constant 0 : i32
        %dma_wait3A_51 = tpu.memref_slice %arg4[%add3A_37, %dma_wait3A_50] : memref<163840x256xf32, #tpu.memory_space<hbm>> -> memref<128x256xf32, #tpu.memory_space<hbm>>
        tpu.wait_dma2 semaphore(%run_scoped3A : memref<!tpu.dma_semaphore, #tpu.memory_space<semaphore_mem>>) src(%arg8 : memref<128x256xf32, #tpu.memory_space<vmem>>) dst(%dma_wait3A_51 : memref<128x256xf32, #tpu.memory_space<hbm>>)
        tpu.yield
      }) : () -> ()
    }
    %scan3A_11 = arith.constant 20 : i32
    return
  }
}

module attributes {stable_mosaic.version = 14 : i64} {
  func.func @_tc_body(%arg0: i32, %arg1: memref<16x200x256xf32, #tpu.memory_space<vmem>>, %arg2: memref<200x129xf32, #tpu.memory_space<vmem>>, %arg3: memref<15x164x128xf32, #tpu.memory_space<vmem>>, %arg4: memref<15x128xf32, #tpu.memory_space<vmem>>, %arg5: memref<1x128xf32, #tpu.memory_space<vmem>>, %arg6: memref<3x30xf32, #tpu.memory_space<vmem>>, %arg7: memref<200x128xf32, #tpu.memory_space<vmem>>) attributes {dimension_semantics = [#tpu.dimension_semantics<arbitrary>], iteration_bounds = array<i64: 50>, scalar_prefetch = 0 : i64, scratch_operands = 0 : i64, tpu.core_type = #tpu.core_type<tc>, window_params = [{transform_indices = @transform_0, window_bounds = array<i64: 16, 200, 256>}, {transform_indices = @transform_1, window_bounds = array<i64: 200, 129>}, {pipeline_mode = #tpu.pipeline_mode<synchronous>, transform_indices = @transform_2, window_bounds = array<i64: 15, 164, 128>}, {pipeline_mode = #tpu.pipeline_mode<synchronous>, transform_indices = @transform_3, window_bounds = array<i64: 15, 128>}, {pipeline_mode = #tpu.pipeline_mode<synchronous>, transform_indices = @transform_4, window_bounds = array<i64: 1, 128>}, {pipeline_mode = #tpu.pipeline_mode<synchronous>, transform_indices = @transform_5, window_bounds = array<i64: 3, 30>}, {transform_indices = @transform_6, window_bounds = array<i64: 200, 128>}]} {
    %get3A = arith.constant 0 : index
    %get3A_0 = arith.constant 0 : index
    %get3A_1 = arith.constant 0 : index
    %get3A_2 = vector.load %arg1[%get3A, %get3A_0, %get3A_1] : memref<16x200x256xf32, #tpu.memory_space<vmem>>, vector<16x200x256xf32>
    %get3A_3 = arith.constant 0 : index
    %get3A_4 = arith.constant 0 : index
    %get3A_5 = vector.load %arg2[%get3A_3, %get3A_4] : memref<200x129xf32, #tpu.memory_space<vmem>>, vector<200x129xf32>
    %slice3A = vector.extract_strided_slice %get3A_2 {offsets = [0, 0, 146], sizes = [16, 200, 3], strides = [1, 1, 1]} : vector<16x200x256xf32> to vector<16x200x3xf32>
    %slice3A_6 = vector.extract_strided_slice %get3A_5 {offsets = [0, 0], sizes = [200, 3], strides = [1, 1]} : vector<200x129xf32> to vector<200x3xf32>
    %broadcast_in_dim3A = vector.shape_cast %slice3A_6 : vector<200x3xf32> to vector<1x200x3xf32>
    %sub3A = vector.broadcast %broadcast_in_dim3A : vector<1x200x3xf32> to vector<16x200x3xf32>
    %sub3A_7 = arith.subf %slice3A, %sub3A : vector<16x200x3xf32>
    %slice3A_8 = vector.extract_strided_slice %sub3A_7 {offsets = [0, 0, 0], sizes = [16, 200, 1], strides = [1, 1, 1]} : vector<16x200x3xf32> to vector<16x200x1xf32>
    %slice3A_9 = vector.extract_strided_slice %get3A_5 {offsets = [0, 3], sizes = [200, 3], strides = [1, 1]} : vector<200x129xf32> to vector<200x3xf32>
    %broadcast_in_dim3A_10 = vector.shape_cast %slice3A_9 : vector<200x3xf32> to vector<1x200x3xf32>
    %mul3A = vector.broadcast %slice3A_8 : vector<16x200x1xf32> to vector<16x200x3xf32>
    %mul3A_11 = vector.broadcast %broadcast_in_dim3A_10 : vector<1x200x3xf32> to vector<16x200x3xf32>
    %mul3A_12 = arith.mulf %mul3A, %mul3A_11 : vector<16x200x3xf32>
    %slice3A_13 = vector.extract_strided_slice %sub3A_7 {offsets = [0, 0, 1], sizes = [16, 200, 1], strides = [1, 1, 1]} : vector<16x200x3xf32> to vector<16x200x1xf32>
    %slice3A_14 = vector.extract_strided_slice %get3A_5 {offsets = [0, 6], sizes = [200, 3], strides = [1, 1]} : vector<200x129xf32> to vector<200x3xf32>
    %broadcast_in_dim3A_15 = vector.shape_cast %slice3A_14 : vector<200x3xf32> to vector<1x200x3xf32>
    %mul3A_16 = vector.broadcast %slice3A_13 : vector<16x200x1xf32> to vector<16x200x3xf32>
    %mul3A_17 = vector.broadcast %broadcast_in_dim3A_15 : vector<1x200x3xf32> to vector<16x200x3xf32>
    %mul3A_18 = arith.mulf %mul3A_16, %mul3A_17 : vector<16x200x3xf32>
    %add3A = arith.addf %mul3A_12, %mul3A_18 : vector<16x200x3xf32>
    %slice3A_19 = vector.extract_strided_slice %sub3A_7 {offsets = [0, 0, 2], sizes = [16, 200, 1], strides = [1, 1, 1]} : vector<16x200x3xf32> to vector<16x200x1xf32>
    %slice3A_20 = vector.extract_strided_slice %get3A_5 {offsets = [0, 9], sizes = [200, 3], strides = [1, 1]} : vector<200x129xf32> to vector<200x3xf32>
    %broadcast_in_dim3A_21 = vector.shape_cast %slice3A_20 : vector<200x3xf32> to vector<1x200x3xf32>
    %mul3A_22 = vector.broadcast %slice3A_19 : vector<16x200x1xf32> to vector<16x200x3xf32>
    %mul3A_23 = vector.broadcast %broadcast_in_dim3A_21 : vector<1x200x3xf32> to vector<16x200x3xf32>
    %mul3A_24 = arith.mulf %mul3A_22, %mul3A_23 : vector<16x200x3xf32>
    %add3A_25 = arith.addf %add3A, %mul3A_24 : vector<16x200x3xf32>
    %slice3A_26 = vector.extract_strided_slice %sub3A_7 {offsets = [0, 0, 0], sizes = [16, 200, 1], strides = [1, 1, 1]} : vector<16x200x3xf32> to vector<16x200x1xf32>
    %slice3A_27 = vector.extract_strided_slice %get3A_5 {offsets = [0, 12], sizes = [200, 3], strides = [1, 1]} : vector<200x129xf32> to vector<200x3xf32>
    %broadcast_in_dim3A_28 = vector.shape_cast %slice3A_27 : vector<200x3xf32> to vector<1x200x3xf32>
    %mul3A_29 = vector.broadcast %slice3A_26 : vector<16x200x1xf32> to vector<16x200x3xf32>
    %mul3A_30 = vector.broadcast %broadcast_in_dim3A_28 : vector<1x200x3xf32> to vector<16x200x3xf32>
    %mul3A_31 = arith.mulf %mul3A_29, %mul3A_30 : vector<16x200x3xf32>
    %slice3A_32 = vector.extract_strided_slice %sub3A_7 {offsets = [0, 0, 1], sizes = [16, 200, 1], strides = [1, 1, 1]} : vector<16x200x3xf32> to vector<16x200x1xf32>
    %slice3A_33 = vector.extract_strided_slice %get3A_5 {offsets = [0, 15], sizes = [200, 3], strides = [1, 1]} : vector<200x129xf32> to vector<200x3xf32>
    %broadcast_in_dim3A_34 = vector.shape_cast %slice3A_33 : vector<200x3xf32> to vector<1x200x3xf32>
    %mul3A_35 = vector.broadcast %slice3A_32 : vector<16x200x1xf32> to vector<16x200x3xf32>
    %mul3A_36 = vector.broadcast %broadcast_in_dim3A_34 : vector<1x200x3xf32> to vector<16x200x3xf32>
    %mul3A_37 = arith.mulf %mul3A_35, %mul3A_36 : vector<16x200x3xf32>
    %add3A_38 = arith.addf %mul3A_31, %mul3A_37 : vector<16x200x3xf32>
    %slice3A_39 = vector.extract_strided_slice %sub3A_7 {offsets = [0, 0, 2], sizes = [16, 200, 1], strides = [1, 1, 1]} : vector<16x200x3xf32> to vector<16x200x1xf32>
    %slice3A_40 = vector.extract_strided_slice %get3A_5 {offsets = [0, 18], sizes = [200, 3], strides = [1, 1]} : vector<200x129xf32> to vector<200x3xf32>
    %broadcast_in_dim3A_41 = vector.shape_cast %slice3A_40 : vector<200x3xf32> to vector<1x200x3xf32>
    %mul3A_42 = vector.broadcast %slice3A_39 : vector<16x200x1xf32> to vector<16x200x3xf32>
    %mul3A_43 = vector.broadcast %broadcast_in_dim3A_41 : vector<1x200x3xf32> to vector<16x200x3xf32>
    %mul3A_44 = arith.mulf %mul3A_42, %mul3A_43 : vector<16x200x3xf32>
    %add3A_45 = arith.addf %add3A_38, %mul3A_44 : vector<16x200x3xf32>
    %concatenate3A = tpu.concatenate %add3A_25, %add3A_45 in 2 : vector<16x200x3xf32>, vector<16x200x3xf32> -> vector<16x200x6xf32>
    %slice3A_46 = vector.extract_strided_slice %concatenate3A {offsets = [0, 0, 0], sizes = [16, 200, 1], strides = [1, 1, 1]} : vector<16x200x6xf32> to vector<16x200x1xf32>
    %broadcast_in_dim3A_47 = vector.shape_cast %slice3A_46 : vector<16x200x1xf32> to vector<16x200x1xf32>
    %broadcast_in_dim3A_48 = vector.broadcast %broadcast_in_dim3A_47 : vector<16x200x1xf32> to vector<16x200x15xf32>
    %slice3A_49 = vector.extract_strided_slice %concatenate3A {offsets = [0, 0, 3], sizes = [16, 200, 1], strides = [1, 1, 1]} : vector<16x200x6xf32> to vector<16x200x1xf32>
    %broadcast_in_dim3A_50 = vector.shape_cast %slice3A_49 : vector<16x200x1xf32> to vector<16x200x1xf32>
    %broadcast_in_dim3A_51 = vector.broadcast %broadcast_in_dim3A_50 : vector<16x200x1xf32> to vector<16x200x15xf32>
    %concatenate3A_52 = tpu.concatenate %broadcast_in_dim3A_48, %broadcast_in_dim3A_51 in 2 : vector<16x200x15xf32>, vector<16x200x15xf32> -> vector<16x200x30xf32>
    %get3A_53 = arith.constant 0 : index
    %get3A_54 = arith.constant 0 : index
    %get3A_55 = vector.load %arg6[%get3A_53, %get3A_54] : memref<3x30xf32, #tpu.memory_space<vmem>>, vector<3x30xf32>
    %slice3A_56 = vector.extract_strided_slice %get3A_55 {offsets = [0, 0], sizes = [1, 30], strides = [1, 1]} : vector<3x30xf32> to vector<1x30xf32>
    %broadcast_in_dim3A_57 = vector.shape_cast %slice3A_56 : vector<1x30xf32> to vector<1x1x30xf32>
    %sub3A_58 = vector.broadcast %broadcast_in_dim3A_57 : vector<1x1x30xf32> to vector<16x200x30xf32>
    %sub3A_59 = arith.subf %concatenate3A_52, %sub3A_58 : vector<16x200x30xf32>
    %mul3A_60 = arith.mulf %sub3A_59, %sub3A_59 : vector<16x200x30xf32>
    %slice3A_61 = vector.extract_strided_slice %concatenate3A {offsets = [0, 0, 1], sizes = [16, 200, 1], strides = [1, 1, 1]} : vector<16x200x6xf32> to vector<16x200x1xf32>
    %broadcast_in_dim3A_62 = vector.shape_cast %slice3A_61 : vector<16x200x1xf32> to vector<16x200x1xf32>
    %broadcast_in_dim3A_63 = vector.broadcast %broadcast_in_dim3A_62 : vector<16x200x1xf32> to vector<16x200x15xf32>
    %slice3A_64 = vector.extract_strided_slice %concatenate3A {offsets = [0, 0, 4], sizes = [16, 200, 1], strides = [1, 1, 1]} : vector<16x200x6xf32> to vector<16x200x1xf32>
    %broadcast_in_dim3A_65 = vector.shape_cast %slice3A_64 : vector<16x200x1xf32> to vector<16x200x1xf32>
    %broadcast_in_dim3A_66 = vector.broadcast %broadcast_in_dim3A_65 : vector<16x200x1xf32> to vector<16x200x15xf32>
    %concatenate3A_67 = tpu.concatenate %broadcast_in_dim3A_63, %broadcast_in_dim3A_66 in 2 : vector<16x200x15xf32>, vector<16x200x15xf32> -> vector<16x200x30xf32>
    %get3A_68 = arith.constant 0 : index
    %get3A_69 = arith.constant 0 : index
    %get3A_70 = vector.load %arg6[%get3A_68, %get3A_69] : memref<3x30xf32, #tpu.memory_space<vmem>>, vector<3x30xf32>
    %slice3A_71 = vector.extract_strided_slice %get3A_70 {offsets = [1, 0], sizes = [1, 30], strides = [1, 1]} : vector<3x30xf32> to vector<1x30xf32>
    %broadcast_in_dim3A_72 = vector.shape_cast %slice3A_71 : vector<1x30xf32> to vector<1x1x30xf32>
    %sub3A_73 = vector.broadcast %broadcast_in_dim3A_72 : vector<1x1x30xf32> to vector<16x200x30xf32>
    %sub3A_74 = arith.subf %concatenate3A_67, %sub3A_73 : vector<16x200x30xf32>
    %mul3A_75 = arith.mulf %sub3A_74, %sub3A_74 : vector<16x200x30xf32>
    %add3A_76 = arith.addf %mul3A_60, %mul3A_75 : vector<16x200x30xf32>
    %slice3A_77 = vector.extract_strided_slice %concatenate3A {offsets = [0, 0, 2], sizes = [16, 200, 1], strides = [1, 1, 1]} : vector<16x200x6xf32> to vector<16x200x1xf32>
    %broadcast_in_dim3A_78 = vector.shape_cast %slice3A_77 : vector<16x200x1xf32> to vector<16x200x1xf32>
    %broadcast_in_dim3A_79 = vector.broadcast %broadcast_in_dim3A_78 : vector<16x200x1xf32> to vector<16x200x15xf32>
    %slice3A_80 = vector.extract_strided_slice %concatenate3A {offsets = [0, 0, 5], sizes = [16, 200, 1], strides = [1, 1, 1]} : vector<16x200x6xf32> to vector<16x200x1xf32>
    %broadcast_in_dim3A_81 = vector.shape_cast %slice3A_80 : vector<16x200x1xf32> to vector<16x200x1xf32>
    %broadcast_in_dim3A_82 = vector.broadcast %broadcast_in_dim3A_81 : vector<16x200x1xf32> to vector<16x200x15xf32>
    %concatenate3A_83 = tpu.concatenate %broadcast_in_dim3A_79, %broadcast_in_dim3A_82 in 2 : vector<16x200x15xf32>, vector<16x200x15xf32> -> vector<16x200x30xf32>
    %get3A_84 = arith.constant 0 : index
    %get3A_85 = arith.constant 0 : index
    %get3A_86 = vector.load %arg6[%get3A_84, %get3A_85] : memref<3x30xf32, #tpu.memory_space<vmem>>, vector<3x30xf32>
    %slice3A_87 = vector.extract_strided_slice %get3A_86 {offsets = [2, 0], sizes = [1, 30], strides = [1, 1]} : vector<3x30xf32> to vector<1x30xf32>
    %broadcast_in_dim3A_88 = vector.shape_cast %slice3A_87 : vector<1x30xf32> to vector<1x1x30xf32>
    %sub3A_89 = vector.broadcast %broadcast_in_dim3A_88 : vector<1x1x30xf32> to vector<16x200x30xf32>
    %sub3A_90 = arith.subf %concatenate3A_83, %sub3A_89 : vector<16x200x30xf32>
    %mul3A_91 = arith.mulf %sub3A_90, %sub3A_90 : vector<16x200x30xf32>
    %add3A_92 = arith.addf %add3A_76, %mul3A_91 : vector<16x200x30xf32>
    %sqrt3A = math.sqrt %add3A_92 : vector<16x200x30xf32>
    %mul3A_93 = arith.constant 0.833333313 : f32
    %mul3A_94 = vector.broadcast %mul3A_93 : f32 to vector<16x200x30xf32>
    %mul3A_95 = arith.mulf %sqrt3A, %mul3A_94 : vector<16x200x30xf32>
    %sub3A_96 = arith.constant 1.000000e+00 : f32
    %sub3A_97 = vector.broadcast %sub3A_96 : f32 to vector<16x200x30xf32>
    %sub3A_98 = arith.subf %sub3A_97, %mul3A_95 : vector<16x200x30xf32>
    %max3A = arith.constant 0.000000e+00 : f32
    %max3A_99 = vector.broadcast %max3A : f32 to vector<16x200x30xf32>
    %max3A_100 = arith.maximumf %sub3A_98, %max3A_99 : vector<16x200x30xf32>
    %slice3A_101 = vector.extract_strided_slice %max3A_100 {offsets = [0, 0, 0], sizes = [16, 200, 15], strides = [1, 1, 1]} : vector<16x200x30xf32> to vector<16x200x15xf32>
    %slice3A_102 = vector.extract_strided_slice %max3A_100 {offsets = [0, 0, 15], sizes = [16, 200, 15], strides = [1, 1, 1]} : vector<16x200x30xf32> to vector<16x200x15xf32>
    %add3A_103 = arith.addf %slice3A_101, %slice3A_102 : vector<16x200x15xf32>
    %slice3A_104 = vector.extract_strided_slice %get3A_2 {offsets = [0, 0, 128], sizes = [16, 200, 18], strides = [1, 1, 1]} : vector<16x200x256xf32> to vector<16x200x18xf32>
    %slice3A_105 = vector.extract_strided_slice %slice3A_104 {offsets = [0, 0, 0], sizes = [16, 200, 3], strides = [1, 1, 1]} : vector<16x200x18xf32> to vector<16x200x3xf32>
    %slice3A_106 = vector.extract_strided_slice %slice3A_104 {offsets = [0, 0, 9], sizes = [16, 200, 3], strides = [1, 1, 1]} : vector<16x200x18xf32> to vector<16x200x3xf32>
    %concatenate3A_107 = tpu.concatenate %slice3A_105, %slice3A_105, %slice3A_105, %slice3A_106, %slice3A_106, %slice3A_106 in 2 : vector<16x200x3xf32>, vector<16x200x3xf32>, vector<16x200x3xf32>, vector<16x200x3xf32>, vector<16x200x3xf32>, vector<16x200x3xf32> -> vector<16x200x18xf32>
    %concatenate3A_108 = tpu.concatenate %concatenate3A_107, %concatenate3A_107 in 2 : vector<16x200x18xf32>, vector<16x200x18xf32> -> vector<16x200x36xf32>
    %slice3A_109 = vector.extract_strided_slice %get3A_5 {offsets = [0, 21], sizes = [200, 36], strides = [1, 1]} : vector<200x129xf32> to vector<200x36xf32>
    %broadcast_in_dim3A_110 = vector.shape_cast %slice3A_109 : vector<200x36xf32> to vector<1x200x36xf32>
    %mul3A_111 = vector.broadcast %broadcast_in_dim3A_110 : vector<1x200x36xf32> to vector<16x200x36xf32>
    %mul3A_112 = arith.mulf %mul3A_111, %concatenate3A_108 : vector<16x200x36xf32>
    %slice3A_113 = vector.extract_strided_slice %slice3A_104 {offsets = [0, 0, 3], sizes = [16, 200, 3], strides = [1, 1, 1]} : vector<16x200x18xf32> to vector<16x200x3xf32>
    %slice3A_114 = vector.extract_strided_slice %slice3A_104 {offsets = [0, 0, 12], sizes = [16, 200, 3], strides = [1, 1, 1]} : vector<16x200x18xf32> to vector<16x200x3xf32>
    %concatenate3A_115 = tpu.concatenate %slice3A_113, %slice3A_113, %slice3A_113, %slice3A_114, %slice3A_114, %slice3A_114 in 2 : vector<16x200x3xf32>, vector<16x200x3xf32>, vector<16x200x3xf32>, vector<16x200x3xf32>, vector<16x200x3xf32>, vector<16x200x3xf32> -> vector<16x200x18xf32>
    %concatenate3A_116 = tpu.concatenate %concatenate3A_115, %concatenate3A_115 in 2 : vector<16x200x18xf32>, vector<16x200x18xf32> -> vector<16x200x36xf32>
    %slice3A_117 = vector.extract_strided_slice %get3A_5 {offsets = [0, 57], sizes = [200, 36], strides = [1, 1]} : vector<200x129xf32> to vector<200x36xf32>
    %broadcast_in_dim3A_118 = vector.shape_cast %slice3A_117 : vector<200x36xf32> to vector<1x200x36xf32>
    %mul3A_119 = vector.broadcast %broadcast_in_dim3A_118 : vector<1x200x36xf32> to vector<16x200x36xf32>
    %mul3A_120 = arith.mulf %mul3A_119, %concatenate3A_116 : vector<16x200x36xf32>
    %add3A_121 = arith.addf %mul3A_112, %mul3A_120 : vector<16x200x36xf32>
    %slice3A_122 = vector.extract_strided_slice %slice3A_104 {offsets = [0, 0, 6], sizes = [16, 200, 3], strides = [1, 1, 1]} : vector<16x200x18xf32> to vector<16x200x3xf32>
    %slice3A_123 = vector.extract_strided_slice %slice3A_104 {offsets = [0, 0, 15], sizes = [16, 200, 3], strides = [1, 1, 1]} : vector<16x200x18xf32> to vector<16x200x3xf32>
    %concatenate3A_124 = tpu.concatenate %slice3A_122, %slice3A_122, %slice3A_122, %slice3A_123, %slice3A_123, %slice3A_123 in 2 : vector<16x200x3xf32>, vector<16x200x3xf32>, vector<16x200x3xf32>, vector<16x200x3xf32>, vector<16x200x3xf32>, vector<16x200x3xf32> -> vector<16x200x18xf32>
    %concatenate3A_125 = tpu.concatenate %concatenate3A_124, %concatenate3A_124 in 2 : vector<16x200x18xf32>, vector<16x200x18xf32> -> vector<16x200x36xf32>
    %slice3A_126 = vector.extract_strided_slice %get3A_5 {offsets = [0, 93], sizes = [200, 36], strides = [1, 1]} : vector<200x129xf32> to vector<200x36xf32>
    %broadcast_in_dim3A_127 = vector.shape_cast %slice3A_126 : vector<200x36xf32> to vector<1x200x36xf32>
    %mul3A_128 = vector.broadcast %broadcast_in_dim3A_127 : vector<1x200x36xf32> to vector<16x200x36xf32>
    %mul3A_129 = arith.mulf %mul3A_128, %concatenate3A_125 : vector<16x200x36xf32>
    %add3A_130 = arith.addf %add3A_121, %mul3A_129 : vector<16x200x36xf32>
    %slice3A_131 = vector.extract_strided_slice %get3A_2 {offsets = [0, 0, 0], sizes = [16, 200, 128], strides = [1, 1, 1]} : vector<16x200x256xf32> to vector<16x200x128xf32>
    %concatenate3A_132 = tpu.concatenate %slice3A_131, %add3A_130 in 2 : vector<16x200x128xf32>, vector<16x200x36xf32> -> vector<16x200x164xf32>
    %reduce_sum3A = arith.constant dense<0.000000e+00> : vector<200x15xf32>
    %reduce_sum3A_133 = vector.multi_reduction <add>, %add3A_103, %reduce_sum3A [0] : vector<16x200x15xf32> to vector<200x15xf32>
    %get3A_134 = arith.constant 0 : index
    %get3A_135 = arith.constant 0 : index
    %get3A_136 = vector.load %arg4[%get3A_134, %get3A_135] : memref<15x128xf32, #tpu.memory_space<vmem>>, vector<15x128xf32>
    %dot_general3A = arith.constant dense<0.000000e+00> : vector<200x128xf32>
    %dot_general3A_137 = tpu.matmul %reduce_sum3A_133, %get3A_136, %dot_general3A {dimension_numbers = #tpu.dot_dimension_numbers<[1], [0], [0], [1], [0, 0, 1, 1], [], []>, transpose_lhs_hint = false} : vector<200x15xf32>, vector<15x128xf32>, vector<200x128xf32> -> vector<200x128xf32>
    %slice3A_138 = vector.extract_strided_slice %add3A_103 {offsets = [0, 0, 0], sizes = [16, 200, 1], strides = [1, 1, 1]} : vector<16x200x15xf32> to vector<16x200x1xf32>
    %mul3A_139 = vector.broadcast %slice3A_138 : vector<16x200x1xf32> to vector<16x200x164xf32>
    %mul3A_140 = arith.mulf %mul3A_139, %concatenate3A_132 : vector<16x200x164xf32>
    %reduce_sum3A_141 = arith.constant dense<0.000000e+00> : vector<200x164xf32>
    %reduce_sum3A_142 = vector.multi_reduction <add>, %mul3A_140, %reduce_sum3A_141 [0] : vector<16x200x164xf32> to vector<200x164xf32>
    %get3A_143 = arith.constant 0 : index
    %get3A_144 = arith.constant 0 : index
    %get3A_145 = arith.constant 0 : index
    %get3A_146 = vector.load %arg3[%get3A_143, %get3A_144, %get3A_145] : memref<15x164x128xf32, #tpu.memory_space<vmem>>, vector<1x164x128xf32>
    %get3A_147 = vector.shape_cast %get3A_146 : vector<1x164x128xf32> to vector<164x128xf32>
    %dot_general3A_148 = arith.constant dense<0.000000e+00> : vector<200x128xf32>
    %dot_general3A_149 = tpu.matmul %reduce_sum3A_142, %get3A_147, %dot_general3A_148 {dimension_numbers = #tpu.dot_dimension_numbers<[1], [0], [0], [1], [0, 0, 1, 1], [], []>, transpose_lhs_hint = false} : vector<200x164xf32>, vector<164x128xf32>, vector<200x128xf32> -> vector<200x128xf32>
    %add3A_150 = arith.addf %dot_general3A_137, %dot_general3A_149 : vector<200x128xf32>
    %slice3A_151 = vector.extract_strided_slice %add3A_103 {offsets = [0, 0, 1], sizes = [16, 200, 1], strides = [1, 1, 1]} : vector<16x200x15xf32> to vector<16x200x1xf32>
    %mul3A_152 = vector.broadcast %slice3A_151 : vector<16x200x1xf32> to vector<16x200x164xf32>
    %mul3A_153 = arith.mulf %mul3A_152, %concatenate3A_132 : vector<16x200x164xf32>
    %reduce_sum3A_154 = arith.constant dense<0.000000e+00> : vector<200x164xf32>
    %reduce_sum3A_155 = vector.multi_reduction <add>, %mul3A_153, %reduce_sum3A_154 [0] : vector<16x200x164xf32> to vector<200x164xf32>
    %get3A_156 = arith.constant 1 : index
    %get3A_157 = arith.constant 0 : index
    %get3A_158 = arith.constant 0 : index
    %get3A_159 = vector.load %arg3[%get3A_156, %get3A_157, %get3A_158] : memref<15x164x128xf32, #tpu.memory_space<vmem>>, vector<1x164x128xf32>
    %get3A_160 = vector.shape_cast %get3A_159 : vector<1x164x128xf32> to vector<164x128xf32>
    %dot_general3A_161 = arith.constant dense<0.000000e+00> : vector<200x128xf32>
    %dot_general3A_162 = tpu.matmul %reduce_sum3A_155, %get3A_160, %dot_general3A_161 {dimension_numbers = #tpu.dot_dimension_numbers<[1], [0], [0], [1], [0, 0, 1, 1], [], []>, transpose_lhs_hint = false} : vector<200x164xf32>, vector<164x128xf32>, vector<200x128xf32> -> vector<200x128xf32>
    %add3A_163 = arith.addf %add3A_150, %dot_general3A_162 : vector<200x128xf32>
    %slice3A_164 = vector.extract_strided_slice %add3A_103 {offsets = [0, 0, 2], sizes = [16, 200, 1], strides = [1, 1, 1]} : vector<16x200x15xf32> to vector<16x200x1xf32>
    %mul3A_165 = vector.broadcast %slice3A_164 : vector<16x200x1xf32> to vector<16x200x164xf32>
    %mul3A_166 = arith.mulf %mul3A_165, %concatenate3A_132 : vector<16x200x164xf32>
    %reduce_sum3A_167 = arith.constant dense<0.000000e+00> : vector<200x164xf32>
    %reduce_sum3A_168 = vector.multi_reduction <add>, %mul3A_166, %reduce_sum3A_167 [0] : vector<16x200x164xf32> to vector<200x164xf32>
    %get3A_169 = arith.constant 2 : index
    %get3A_170 = arith.constant 0 : index
    %get3A_171 = arith.constant 0 : index
    %get3A_172 = vector.load %arg3[%get3A_169, %get3A_170, %get3A_171] : memref<15x164x128xf32, #tpu.memory_space<vmem>>, vector<1x164x128xf32>
    %get3A_173 = vector.shape_cast %get3A_172 : vector<1x164x128xf32> to vector<164x128xf32>
    %dot_general3A_174 = arith.constant dense<0.000000e+00> : vector<200x128xf32>
    %dot_general3A_175 = tpu.matmul %reduce_sum3A_168, %get3A_173, %dot_general3A_174 {dimension_numbers = #tpu.dot_dimension_numbers<[1], [0], [0], [1], [0, 0, 1, 1], [], []>, transpose_lhs_hint = false} : vector<200x164xf32>, vector<164x128xf32>, vector<200x128xf32> -> vector<200x128xf32>
    %add3A_176 = arith.addf %add3A_163, %dot_general3A_175 : vector<200x128xf32>
    %slice3A_177 = vector.extract_strided_slice %add3A_103 {offsets = [0, 0, 3], sizes = [16, 200, 1], strides = [1, 1, 1]} : vector<16x200x15xf32> to vector<16x200x1xf32>
    %mul3A_178 = vector.broadcast %slice3A_177 : vector<16x200x1xf32> to vector<16x200x164xf32>
    %mul3A_179 = arith.mulf %mul3A_178, %concatenate3A_132 : vector<16x200x164xf32>
    %reduce_sum3A_180 = arith.constant dense<0.000000e+00> : vector<200x164xf32>
    %reduce_sum3A_181 = vector.multi_reduction <add>, %mul3A_179, %reduce_sum3A_180 [0] : vector<16x200x164xf32> to vector<200x164xf32>
    %get3A_182 = arith.constant 3 : index
    %get3A_183 = arith.constant 0 : index
    %get3A_184 = arith.constant 0 : index
    %get3A_185 = vector.load %arg3[%get3A_182, %get3A_183, %get3A_184] : memref<15x164x128xf32, #tpu.memory_space<vmem>>, vector<1x164x128xf32>
    %get3A_186 = vector.shape_cast %get3A_185 : vector<1x164x128xf32> to vector<164x128xf32>
    %dot_general3A_187 = arith.constant dense<0.000000e+00> : vector<200x128xf32>
    %dot_general3A_188 = tpu.matmul %reduce_sum3A_181, %get3A_186, %dot_general3A_187 {dimension_numbers = #tpu.dot_dimension_numbers<[1], [0], [0], [1], [0, 0, 1, 1], [], []>, transpose_lhs_hint = false} : vector<200x164xf32>, vector<164x128xf32>, vector<200x128xf32> -> vector<200x128xf32>
    %add3A_189 = arith.addf %add3A_176, %dot_general3A_188 : vector<200x128xf32>
    %slice3A_190 = vector.extract_strided_slice %add3A_103 {offsets = [0, 0, 4], sizes = [16, 200, 1], strides = [1, 1, 1]} : vector<16x200x15xf32> to vector<16x200x1xf32>
    %mul3A_191 = vector.broadcast %slice3A_190 : vector<16x200x1xf32> to vector<16x200x164xf32>
    %mul3A_192 = arith.mulf %mul3A_191, %concatenate3A_132 : vector<16x200x164xf32>
    %reduce_sum3A_193 = arith.constant dense<0.000000e+00> : vector<200x164xf32>
    %reduce_sum3A_194 = vector.multi_reduction <add>, %mul3A_192, %reduce_sum3A_193 [0] : vector<16x200x164xf32> to vector<200x164xf32>
    %get3A_195 = arith.constant 4 : index
    %get3A_196 = arith.constant 0 : index
    %get3A_197 = arith.constant 0 : index
    %get3A_198 = vector.load %arg3[%get3A_195, %get3A_196, %get3A_197] : memref<15x164x128xf32, #tpu.memory_space<vmem>>, vector<1x164x128xf32>
    %get3A_199 = vector.shape_cast %get3A_198 : vector<1x164x128xf32> to vector<164x128xf32>
    %dot_general3A_200 = arith.constant dense<0.000000e+00> : vector<200x128xf32>
    %dot_general3A_201 = tpu.matmul %reduce_sum3A_194, %get3A_199, %dot_general3A_200 {dimension_numbers = #tpu.dot_dimension_numbers<[1], [0], [0], [1], [0, 0, 1, 1], [], []>, transpose_lhs_hint = false} : vector<200x164xf32>, vector<164x128xf32>, vector<200x128xf32> -> vector<200x128xf32>
    %add3A_202 = arith.addf %add3A_189, %dot_general3A_201 : vector<200x128xf32>
    %slice3A_203 = vector.extract_strided_slice %add3A_103 {offsets = [0, 0, 5], sizes = [16, 200, 1], strides = [1, 1, 1]} : vector<16x200x15xf32> to vector<16x200x1xf32>
    %mul3A_204 = vector.broadcast %slice3A_203 : vector<16x200x1xf32> to vector<16x200x164xf32>
    %mul3A_205 = arith.mulf %mul3A_204, %concatenate3A_132 : vector<16x200x164xf32>
    %reduce_sum3A_206 = arith.constant dense<0.000000e+00> : vector<200x164xf32>
    %reduce_sum3A_207 = vector.multi_reduction <add>, %mul3A_205, %reduce_sum3A_206 [0] : vector<16x200x164xf32> to vector<200x164xf32>
    %get3A_208 = arith.constant 5 : index
    %get3A_209 = arith.constant 0 : index
    %get3A_210 = arith.constant 0 : index
    %get3A_211 = vector.load %arg3[%get3A_208, %get3A_209, %get3A_210] : memref<15x164x128xf32, #tpu.memory_space<vmem>>, vector<1x164x128xf32>
    %get3A_212 = vector.shape_cast %get3A_211 : vector<1x164x128xf32> to vector<164x128xf32>
    %dot_general3A_213 = arith.constant dense<0.000000e+00> : vector<200x128xf32>
    %dot_general3A_214 = tpu.matmul %reduce_sum3A_207, %get3A_212, %dot_general3A_213 {dimension_numbers = #tpu.dot_dimension_numbers<[1], [0], [0], [1], [0, 0, 1, 1], [], []>, transpose_lhs_hint = false} : vector<200x164xf32>, vector<164x128xf32>, vector<200x128xf32> -> vector<200x128xf32>
    %add3A_215 = arith.addf %add3A_202, %dot_general3A_214 : vector<200x128xf32>
    %slice3A_216 = vector.extract_strided_slice %add3A_103 {offsets = [0, 0, 6], sizes = [16, 200, 1], strides = [1, 1, 1]} : vector<16x200x15xf32> to vector<16x200x1xf32>
    %mul3A_217 = vector.broadcast %slice3A_216 : vector<16x200x1xf32> to vector<16x200x164xf32>
    %mul3A_218 = arith.mulf %mul3A_217, %concatenate3A_132 : vector<16x200x164xf32>
    %reduce_sum3A_219 = arith.constant dense<0.000000e+00> : vector<200x164xf32>
    %reduce_sum3A_220 = vector.multi_reduction <add>, %mul3A_218, %reduce_sum3A_219 [0] : vector<16x200x164xf32> to vector<200x164xf32>
    %get3A_221 = arith.constant 6 : index
    %get3A_222 = arith.constant 0 : index
    %get3A_223 = arith.constant 0 : index
    %get3A_224 = vector.load %arg3[%get3A_221, %get3A_222, %get3A_223] : memref<15x164x128xf32, #tpu.memory_space<vmem>>, vector<1x164x128xf32>
    %get3A_225 = vector.shape_cast %get3A_224 : vector<1x164x128xf32> to vector<164x128xf32>
    %dot_general3A_226 = arith.constant dense<0.000000e+00> : vector<200x128xf32>
    %dot_general3A_227 = tpu.matmul %reduce_sum3A_220, %get3A_225, %dot_general3A_226 {dimension_numbers = #tpu.dot_dimension_numbers<[1], [0], [0], [1], [0, 0, 1, 1], [], []>, transpose_lhs_hint = false} : vector<200x164xf32>, vector<164x128xf32>, vector<200x128xf32> -> vector<200x128xf32>
    %add3A_228 = arith.addf %add3A_215, %dot_general3A_227 : vector<200x128xf32>
    %slice3A_229 = vector.extract_strided_slice %add3A_103 {offsets = [0, 0, 7], sizes = [16, 200, 1], strides = [1, 1, 1]} : vector<16x200x15xf32> to vector<16x200x1xf32>
    %mul3A_230 = vector.broadcast %slice3A_229 : vector<16x200x1xf32> to vector<16x200x164xf32>
    %mul3A_231 = arith.mulf %mul3A_230, %concatenate3A_132 : vector<16x200x164xf32>
    %reduce_sum3A_232 = arith.constant dense<0.000000e+00> : vector<200x164xf32>
    %reduce_sum3A_233 = vector.multi_reduction <add>, %mul3A_231, %reduce_sum3A_232 [0] : vector<16x200x164xf32> to vector<200x164xf32>
    %get3A_234 = arith.constant 7 : index
    %get3A_235 = arith.constant 0 : index
    %get3A_236 = arith.constant 0 : index
    %get3A_237 = vector.load %arg3[%get3A_234, %get3A_235, %get3A_236] : memref<15x164x128xf32, #tpu.memory_space<vmem>>, vector<1x164x128xf32>
    %get3A_238 = vector.shape_cast %get3A_237 : vector<1x164x128xf32> to vector<164x128xf32>
    %dot_general3A_239 = arith.constant dense<0.000000e+00> : vector<200x128xf32>
    %dot_general3A_240 = tpu.matmul %reduce_sum3A_233, %get3A_238, %dot_general3A_239 {dimension_numbers = #tpu.dot_dimension_numbers<[1], [0], [0], [1], [0, 0, 1, 1], [], []>, transpose_lhs_hint = false} : vector<200x164xf32>, vector<164x128xf32>, vector<200x128xf32> -> vector<200x128xf32>
    %add3A_241 = arith.addf %add3A_228, %dot_general3A_240 : vector<200x128xf32>
    %slice3A_242 = vector.extract_strided_slice %add3A_103 {offsets = [0, 0, 8], sizes = [16, 200, 1], strides = [1, 1, 1]} : vector<16x200x15xf32> to vector<16x200x1xf32>
    %mul3A_243 = vector.broadcast %slice3A_242 : vector<16x200x1xf32> to vector<16x200x164xf32>
    %mul3A_244 = arith.mulf %mul3A_243, %concatenate3A_132 : vector<16x200x164xf32>
    %reduce_sum3A_245 = arith.constant dense<0.000000e+00> : vector<200x164xf32>
    %reduce_sum3A_246 = vector.multi_reduction <add>, %mul3A_244, %reduce_sum3A_245 [0] : vector<16x200x164xf32> to vector<200x164xf32>
    %get3A_247 = arith.constant 8 : index
    %get3A_248 = arith.constant 0 : index
    %get3A_249 = arith.constant 0 : index
    %get3A_250 = vector.load %arg3[%get3A_247, %get3A_248, %get3A_249] : memref<15x164x128xf32, #tpu.memory_space<vmem>>, vector<1x164x128xf32>
    %get3A_251 = vector.shape_cast %get3A_250 : vector<1x164x128xf32> to vector<164x128xf32>
    %dot_general3A_252 = arith.constant dense<0.000000e+00> : vector<200x128xf32>
    %dot_general3A_253 = tpu.matmul %reduce_sum3A_246, %get3A_251, %dot_general3A_252 {dimension_numbers = #tpu.dot_dimension_numbers<[1], [0], [0], [1], [0, 0, 1, 1], [], []>, transpose_lhs_hint = false} : vector<200x164xf32>, vector<164x128xf32>, vector<200x128xf32> -> vector<200x128xf32>
    %add3A_254 = arith.addf %add3A_241, %dot_general3A_253 : vector<200x128xf32>
    %slice3A_255 = vector.extract_strided_slice %add3A_103 {offsets = [0, 0, 9], sizes = [16, 200, 1], strides = [1, 1, 1]} : vector<16x200x15xf32> to vector<16x200x1xf32>
    %mul3A_256 = vector.broadcast %slice3A_255 : vector<16x200x1xf32> to vector<16x200x164xf32>
    %mul3A_257 = arith.mulf %mul3A_256, %concatenate3A_132 : vector<16x200x164xf32>
    %reduce_sum3A_258 = arith.constant dense<0.000000e+00> : vector<200x164xf32>
    %reduce_sum3A_259 = vector.multi_reduction <add>, %mul3A_257, %reduce_sum3A_258 [0] : vector<16x200x164xf32> to vector<200x164xf32>
    %get3A_260 = arith.constant 9 : index
    %get3A_261 = arith.constant 0 : index
    %get3A_262 = arith.constant 0 : index
    %get3A_263 = vector.load %arg3[%get3A_260, %get3A_261, %get3A_262] : memref<15x164x128xf32, #tpu.memory_space<vmem>>, vector<1x164x128xf32>
    %get3A_264 = vector.shape_cast %get3A_263 : vector<1x164x128xf32> to vector<164x128xf32>
    %dot_general3A_265 = arith.constant dense<0.000000e+00> : vector<200x128xf32>
    %dot_general3A_266 = tpu.matmul %reduce_sum3A_259, %get3A_264, %dot_general3A_265 {dimension_numbers = #tpu.dot_dimension_numbers<[1], [0], [0], [1], [0, 0, 1, 1], [], []>, transpose_lhs_hint = false} : vector<200x164xf32>, vector<164x128xf32>, vector<200x128xf32> -> vector<200x128xf32>
    %add3A_267 = arith.addf %add3A_254, %dot_general3A_266 : vector<200x128xf32>
    %slice3A_268 = vector.extract_strided_slice %add3A_103 {offsets = [0, 0, 10], sizes = [16, 200, 1], strides = [1, 1, 1]} : vector<16x200x15xf32> to vector<16x200x1xf32>
    %mul3A_269 = vector.broadcast %slice3A_268 : vector<16x200x1xf32> to vector<16x200x164xf32>
    %mul3A_270 = arith.mulf %mul3A_269, %concatenate3A_132 : vector<16x200x164xf32>
    %reduce_sum3A_271 = arith.constant dense<0.000000e+00> : vector<200x164xf32>
    %reduce_sum3A_272 = vector.multi_reduction <add>, %mul3A_270, %reduce_sum3A_271 [0] : vector<16x200x164xf32> to vector<200x164xf32>
    %get3A_273 = arith.constant 10 : index
    %get3A_274 = arith.constant 0 : index
    %get3A_275 = arith.constant 0 : index
    %get3A_276 = vector.load %arg3[%get3A_273, %get3A_274, %get3A_275] : memref<15x164x128xf32, #tpu.memory_space<vmem>>, vector<1x164x128xf32>
    %get3A_277 = vector.shape_cast %get3A_276 : vector<1x164x128xf32> to vector<164x128xf32>
    %dot_general3A_278 = arith.constant dense<0.000000e+00> : vector<200x128xf32>
    %dot_general3A_279 = tpu.matmul %reduce_sum3A_272, %get3A_277, %dot_general3A_278 {dimension_numbers = #tpu.dot_dimension_numbers<[1], [0], [0], [1], [0, 0, 1, 1], [], []>, transpose_lhs_hint = false} : vector<200x164xf32>, vector<164x128xf32>, vector<200x128xf32> -> vector<200x128xf32>
    %add3A_280 = arith.addf %add3A_267, %dot_general3A_279 : vector<200x128xf32>
    %slice3A_281 = vector.extract_strided_slice %add3A_103 {offsets = [0, 0, 11], sizes = [16, 200, 1], strides = [1, 1, 1]} : vector<16x200x15xf32> to vector<16x200x1xf32>
    %mul3A_282 = vector.broadcast %slice3A_281 : vector<16x200x1xf32> to vector<16x200x164xf32>
    %mul3A_283 = arith.mulf %mul3A_282, %concatenate3A_132 : vector<16x200x164xf32>
    %reduce_sum3A_284 = arith.constant dense<0.000000e+00> : vector<200x164xf32>
    %reduce_sum3A_285 = vector.multi_reduction <add>, %mul3A_283, %reduce_sum3A_284 [0] : vector<16x200x164xf32> to vector<200x164xf32>
    %get3A_286 = arith.constant 11 : index
    %get3A_287 = arith.constant 0 : index
    %get3A_288 = arith.constant 0 : index
    %get3A_289 = vector.load %arg3[%get3A_286, %get3A_287, %get3A_288] : memref<15x164x128xf32, #tpu.memory_space<vmem>>, vector<1x164x128xf32>
    %get3A_290 = vector.shape_cast %get3A_289 : vector<1x164x128xf32> to vector<164x128xf32>
    %dot_general3A_291 = arith.constant dense<0.000000e+00> : vector<200x128xf32>
    %dot_general3A_292 = tpu.matmul %reduce_sum3A_285, %get3A_290, %dot_general3A_291 {dimension_numbers = #tpu.dot_dimension_numbers<[1], [0], [0], [1], [0, 0, 1, 1], [], []>, transpose_lhs_hint = false} : vector<200x164xf32>, vector<164x128xf32>, vector<200x128xf32> -> vector<200x128xf32>
    %add3A_293 = arith.addf %add3A_280, %dot_general3A_292 : vector<200x128xf32>
    %slice3A_294 = vector.extract_strided_slice %add3A_103 {offsets = [0, 0, 12], sizes = [16, 200, 1], strides = [1, 1, 1]} : vector<16x200x15xf32> to vector<16x200x1xf32>
    %mul3A_295 = vector.broadcast %slice3A_294 : vector<16x200x1xf32> to vector<16x200x164xf32>
    %mul3A_296 = arith.mulf %mul3A_295, %concatenate3A_132 : vector<16x200x164xf32>
    %reduce_sum3A_297 = arith.constant dense<0.000000e+00> : vector<200x164xf32>
    %reduce_sum3A_298 = vector.multi_reduction <add>, %mul3A_296, %reduce_sum3A_297 [0] : vector<16x200x164xf32> to vector<200x164xf32>
    %get3A_299 = arith.constant 12 : index
    %get3A_300 = arith.constant 0 : index
    %get3A_301 = arith.constant 0 : index
    %get3A_302 = vector.load %arg3[%get3A_299, %get3A_300, %get3A_301] : memref<15x164x128xf32, #tpu.memory_space<vmem>>, vector<1x164x128xf32>
    %get3A_303 = vector.shape_cast %get3A_302 : vector<1x164x128xf32> to vector<164x128xf32>
    %dot_general3A_304 = arith.constant dense<0.000000e+00> : vector<200x128xf32>
    %dot_general3A_305 = tpu.matmul %reduce_sum3A_298, %get3A_303, %dot_general3A_304 {dimension_numbers = #tpu.dot_dimension_numbers<[1], [0], [0], [1], [0, 0, 1, 1], [], []>, transpose_lhs_hint = false} : vector<200x164xf32>, vector<164x128xf32>, vector<200x128xf32> -> vector<200x128xf32>
    %add3A_306 = arith.addf %add3A_293, %dot_general3A_305 : vector<200x128xf32>
    %slice3A_307 = vector.extract_strided_slice %add3A_103 {offsets = [0, 0, 13], sizes = [16, 200, 1], strides = [1, 1, 1]} : vector<16x200x15xf32> to vector<16x200x1xf32>
    %mul3A_308 = vector.broadcast %slice3A_307 : vector<16x200x1xf32> to vector<16x200x164xf32>
    %mul3A_309 = arith.mulf %mul3A_308, %concatenate3A_132 : vector<16x200x164xf32>
    %reduce_sum3A_310 = arith.constant dense<0.000000e+00> : vector<200x164xf32>
    %reduce_sum3A_311 = vector.multi_reduction <add>, %mul3A_309, %reduce_sum3A_310 [0] : vector<16x200x164xf32> to vector<200x164xf32>
    %get3A_312 = arith.constant 13 : index
    %get3A_313 = arith.constant 0 : index
    %get3A_314 = arith.constant 0 : index
    %get3A_315 = vector.load %arg3[%get3A_312, %get3A_313, %get3A_314] : memref<15x164x128xf32, #tpu.memory_space<vmem>>, vector<1x164x128xf32>
    %get3A_316 = vector.shape_cast %get3A_315 : vector<1x164x128xf32> to vector<164x128xf32>
    %dot_general3A_317 = arith.constant dense<0.000000e+00> : vector<200x128xf32>
    %dot_general3A_318 = tpu.matmul %reduce_sum3A_311, %get3A_316, %dot_general3A_317 {dimension_numbers = #tpu.dot_dimension_numbers<[1], [0], [0], [1], [0, 0, 1, 1], [], []>, transpose_lhs_hint = false} : vector<200x164xf32>, vector<164x128xf32>, vector<200x128xf32> -> vector<200x128xf32>
    %add3A_319 = arith.addf %add3A_306, %dot_general3A_318 : vector<200x128xf32>
    %slice3A_320 = vector.extract_strided_slice %add3A_103 {offsets = [0, 0, 14], sizes = [16, 200, 1], strides = [1, 1, 1]} : vector<16x200x15xf32> to vector<16x200x1xf32>
    %mul3A_321 = vector.broadcast %slice3A_320 : vector<16x200x1xf32> to vector<16x200x164xf32>
    %mul3A_322 = arith.mulf %mul3A_321, %concatenate3A_132 : vector<16x200x164xf32>
    %reduce_sum3A_323 = arith.constant dense<0.000000e+00> : vector<200x164xf32>
    %reduce_sum3A_324 = vector.multi_reduction <add>, %mul3A_322, %reduce_sum3A_323 [0] : vector<16x200x164xf32> to vector<200x164xf32>
    %get3A_325 = arith.constant 14 : index
    %get3A_326 = arith.constant 0 : index
    %get3A_327 = arith.constant 0 : index
    %get3A_328 = vector.load %arg3[%get3A_325, %get3A_326, %get3A_327] : memref<15x164x128xf32, #tpu.memory_space<vmem>>, vector<1x164x128xf32>
    %get3A_329 = vector.shape_cast %get3A_328 : vector<1x164x128xf32> to vector<164x128xf32>
    %dot_general3A_330 = arith.constant dense<0.000000e+00> : vector<200x128xf32>
    %dot_general3A_331 = tpu.matmul %reduce_sum3A_324, %get3A_329, %dot_general3A_330 {dimension_numbers = #tpu.dot_dimension_numbers<[1], [0], [0], [1], [0, 0, 1, 1], [], []>, transpose_lhs_hint = false} : vector<200x164xf32>, vector<164x128xf32>, vector<200x128xf32> -> vector<200x128xf32>
    %add3A_332 = arith.addf %add3A_319, %dot_general3A_331 : vector<200x128xf32>
    %get3A_333 = arith.constant 0 : index
    %get3A_334 = arith.constant 0 : index
    %get3A_335 = vector.load %arg5[%get3A_333, %get3A_334] : memref<1x128xf32, #tpu.memory_space<vmem>>, vector<1x128xf32>
    %add3A_336 = vector.broadcast %get3A_335 : vector<1x128xf32> to vector<200x128xf32>
    %add3A_337 = arith.addf %add3A_332, %add3A_336 : vector<200x128xf32>
    %ge3A = arith.constant 0.000000e+00 : f32
    %ge3A_338 = vector.broadcast %ge3A : f32 to vector<200x128xf32>
    %ge3A_339 = arith.cmpf oge, %add3A_337, %ge3A_338 : vector<200x128xf32>
    %mul3A_340 = arith.constant 1.000000e-01 : f32
    %mul3A_341 = vector.broadcast %mul3A_340 : f32 to vector<200x128xf32>
    %mul3A_342 = arith.mulf %mul3A_341, %add3A_337 : vector<200x128xf32>
    %select_n3A = arith.select %ge3A_339, %add3A_337, %mul3A_342 : vector<200x128xi1>, vector<200x128xf32>
    %swap3A = arith.constant 0 : index
    %swap3A_343 = arith.constant 0 : index
    %swap3A_344 = vector.load %arg7[%swap3A, %swap3A_343] : memref<200x128xf32, #tpu.memory_space<vmem>>, vector<200x128xf32>
    tpu.vector_store %arg7[%swap3A, %swap3A_343], %select_n3A {strides = array<i32>} : memref<200x128xf32, #tpu.memory_space<vmem>>, vector<200x128xf32>,
    return
  }
  func.func @transform_0(%arg0: i32) -> (i32, i32, i32) {
    %c0_i32 = arith.constant 0 : i32
    %c0_i32_0 = arith.constant 0 : i32
    %c0_i32_1 = arith.constant 0 : i32
    return %c0_i32, %arg0, %c0_i32_0 : i32, i32, i32
  }
  func.func @transform_1(%arg0: i32) -> (i32, i32) {
    %c0_i32 = arith.constant 0 : i32
    %c0_i32_0 = arith.constant 0 : i32
    return %arg0, %c0_i32 : i32, i32
  }
  func.func @transform_2(%arg0: i32) -> (i32, i32, i32) {
    %c0_i32 = arith.constant 0 : i32
    %c0_i32_0 = arith.constant 0 : i32
    %c0_i32_1 = arith.constant 0 : i32
    %c0_i32_2 = arith.constant 0 : i32
    return %c0_i32, %c0_i32_0, %c0_i32_1 : i32, i32, i32
  }
  func.func @transform_3(%arg0: i32) -> (i32, i32) {
    %c0_i32 = arith.constant 0 : i32
    %c0_i32_0 = arith.constant 0 : i32
    %c0_i32_1 = arith.constant 0 : i32
    return %c0_i32, %c0_i32_0 : i32, i32
  }
  func.func @transform_4(%arg0: i32) -> (i32, i32) {
    %c0_i32 = arith.constant 0 : i32
    %c0_i32_0 = arith.constant 0 : i32
    %c0_i32_1 = arith.constant 0 : i32
    return %c0_i32, %c0_i32_0 : i32, i32
  }
  func.func @transform_5(%arg0: i32) -> (i32, i32) {
    %c0_i32 = arith.constant 0 : i32
    %c0_i32_0 = arith.constant 0 : i32
    %c0_i32_1 = arith.constant 0 : i32
    return %c0_i32, %c0_i32_0 : i32, i32
  }
  func.func @transform_6(%arg0: i32) -> (i32, i32) {
    %c0_i32 = arith.constant 0 : i32
    %c0_i32_0 = arith.constant 0 : i32
    return %arg0, %c0_i32 : i32, i32
  }
}

</mosaic_0001>

<sc_bundles>
// kernel: kernel.4.cloned.1.call-start
scs
__scs_entry_jumppad:
0x0: {  	(pc) =	sbr.rel $0x88, $3  }
0x1: {  	(tag) =	ssettag $0x0;
	lr =	simm.s32 $0x1  }
0x2: {  	[smem:$0x3F97] =	sst lr;
	_ =	strace $0xD0000000  }
0x3: {  	_ = 	snop  }
0x4: {  	_ = 	snop  }
0x5: {  	_ = 	snop  }
0x6: {  	_ = 	snop  }
0x7: {  	_ = 	snop  }
__scs_overlays_trampoline_lowered:
0x8: {  	[smem:$0x3FA6] =	sst s0  }
0x9: {  	[smem:$0x3FA7] =	sst s1  }
0xa: {  	[smem:$0x3FA8] =	sst s2  }
0xb: {  	[smem:$0x3FA9] =	sst s3  }
0xc: {  	[smem:$0x3FAA] =	sst s4  }
0xd: {  	[smem:$0x3FAB] =	sst s5  }
0xe: {  	[smem:$0x3FAC] =	sst s6  }
0xf: {  	[smem:$0x3FAD] =	sst s7  }
0x10: {  	[smem:$0x3FAE] =	sst s8  }
0x11: {  	[smem:$0x3FAF] =	sst s9;
	s0 =	simm.s32 @!p0 $0x0  }
0x12: {  	s1 =	sld [smem:$0x3F95];
	s0 =	simm.s32 @p0 $0x1  }
0x13: {  	[smem:$0x3FB0] =	sst s0;
	s0 =	simm.s32 @!p1 $0x0  }
0x14: {  	s2 =	sld [smem:$0x3F94];
	s0 =	simm.s32 @p1 $0x1  }
0x15: {  	[smem:$0x3FB1] =	sst s0;
	s0 =	simm.s32 @!p2 $0x0  }
0x16: {  	s3 =	sld [smem:$0x3FDB];
	s0 =	simm.s32 @p2 $0x1  }
0x17: {  	s4 =	simm.s32 $0x1BF5;
	[smem:$0x3FB3] =	sst s0  }
0x18: {  	s0 =	sld [smem:$0x3F96];
	_ =	swait.ge [sflag:s4], $0x0  }
0x19: {  	s7 =	sld [smem:$0x3F97]  }
0x1a: {  	s8 =	sadd.s32 $0xFFFFE003, lr  }
0x1b: {  	s9 =	sadd.s32 $0xFFFFFEF7, lr;
	s5 =	simm.s32 $0xFFFFFFFF;
	p2 =	slt.u32 s8, $0xFFFFF086  }
0x1c: {  	p1 =	slt.u32 s9, $0xF7A;
	s5 =	simm.s32 @!p2 $0x0  }
0x1d: {  	s5 =	simm.s32 @p1 $0x1;
	p0 =	seq.s32 s7, s2  }
0x1e: {  	s7 =	smul.u32 @!p0 $0xF7A, s2;
	p2 =	seq.s32 @!p0 s5, $0x0  }
0x1f: {  	s9 =	smul.u32 $0xF7A, s1;
	s8 =	simm.s32 @!p0 $0x1BF5;
	p2 =	por !p2, p0  }
0x20: {  	[sflag:s8] =	ssyncset.s32 @!p0 $0xFFFFF086;
	s6 =	sadd.s32 @!p0 s3, s7;
	s7 =	simm.s32 @!p0 $0x108  }
0x21: {  	s3 =	sadd.s32 s3, s9;
	s6 =	sadd.s32 @!p0 $0x88, s6;
	s7 =	simm.s32 @p2 $0x1082  }
0x22: {  	[simem:s7], [sflag:s8] =	dma.local @!p0 [hbm:s6], $0xF7A  }
0x23: {  	s9 =	sor.u32 $0xD0000000, s2;
	s6 =	simm.s32 $0x108;
	_ =	swait.ge @!p0 [sflag:s8], $0x0  }
0x24: {  	s3 =	sadd.s32 $0x88, s3;
	s6 =	simm.s32 @!p1 $0x1082;
	[sflag:s4] =	ssyncset.s32 $0xFFFFF086  }
0x25: {  	[simem:s6], [sflag:s4] =	dma.local [hbm:s3], $0xF7A  }
0x26: {  	[smem:$0x3F97] =	sst s1;
	(tag) =	ssettag s2;
	_ =	strace s9  }
0x27: {  	s1 =	sld [smem:$0x3FA7]  }
0x28: {  	s2 =	sld [smem:$0x3FA8]  }
0x29: {  	s4 =	sld [smem:$0x3FAA]  }
0x2a: {  	p0 =	seq.s32 s5, $0x0;
	s5 =	sld [smem:$0x3FAB]  }
0x2b: {  	s6 =	sld [smem:$0x3FAC]  }
0x2c: {  	s7 =	sld [smem:$0x3FAD]  }
0x2d: {  	s3 =	simm.s32 $0x108;
	s8 =	sld [smem:$0x3FAE]  }
0x2e: {  	s3 =	simm.s32 @!p0 $0x1082;
	s9 =	sld [smem:$0x3FAF]  }
0x2f: {  	lr =	sadd.s32 s0, s3;
	s0 =	sld [smem:$0x3FA6]  }
0x30: {  	s3 =	sld [smem:$0x3FA9]  }
0x31: {  	[smem:$0x3FB2] =	sst s10  }
0x32: {  	s10 =	sld [smem:$0x3FB0];
	_ =	sdelay $0x3  }
0x33: {  	p0 =	seq.s32 s10, $0x1;
	s10 =	sld [smem:$0x3FB2];
	_ =	sdelay $0x3  }
0x34: {  	[smem:$0x3FB2] =	sst s10  }
0x35: {  	s10 =	sld [smem:$0x3FB1];
	_ =	sdelay $0x3  }
0x36: {  	p1 =	seq.s32 s10, $0x1;
	s10 =	sld [smem:$0x3FB2];
	_ =	sdelay $0x3  }
0x37: {  	[smem:$0x3FB2] =	sst s10  }
0x38: {  	s10 =	sld [smem:$0x3FB3]  }
0x39: {  	_ = 	snop;
	(pc) =	sbr.ind lr, $3  }
0x3a: {  	_ = 	snop  }
0x3b: {  	_ = 	snop  }
0x3c: {  	p2 =	seq.s32 s10, $0x1;
	s10 =	sld [smem:$0x3FB2]  }
0x3d: {  	_ =	shalt  }
0x3e: {  	_ =	shalt  }
0x3f: {  	_ =	shalt  }
0x40: {  	_ =	shalt  }
0x41: {  	_ =	shalt  }
0x42: {  	_ =	shalt  }
0x43: {  	_ =	shalt  }
0x44: {  	_ =	shalt  }
0x45: {  	_ =	shalt  }
0x46: {  	_ =	shalt  }
0x47: {  	_ =	shalt  }
0x48: {  	_ =	shalt  }
0x49: {  	_ =	shalt  }
0x4a: {  	_ =	shalt  }
0x4b: {  	_ =	shalt  }
0x4c: {  	_ =	shalt  }
0x4d: {  	_ =	shalt  }
0x4e: {  	_ =	shalt  }
0x4f: {  	_ =	shalt  }
0x50: {  	_ =	shalt  }
0x51: {  	_ =	shalt  }
0x52: {  	_ =	shalt  }
0x53: {  	_ =	shalt  }
0x54: {  	_ =	shalt  }
0x55: {  	_ =	shalt  }
0x56: {  	_ =	shalt  }
0x57: {  	_ =	shalt  }
0x58: {  	_ =	shalt  }
0x59: {  	_ =	shalt  }
0x5a: {  	_ =	shalt  }
0x5b: {  	_ =	shalt  }
0x5c: {  	_ =	shalt  }
0x5d: {  	_ =	shalt  }
0x5e: {  	_ =	shalt  }
0x5f: {  	_ =	shalt  }
0x60: {  	_ =	shalt  }
0x61: {  	_ =	shalt  }
0x62: {  	_ =	shalt  }
0x63: {  	_ =	shalt  }
0x64: {  	_ =	shalt  }
0x65: {  	_ =	shalt  }
0x66: {  	_ =	shalt  }
0x67: {  	_ =	shalt  }
0x68: {  	_ =	shalt  }
0x69: {  	_ =	shalt  }
0x6a: {  	_ =	shalt  }
0x6b: {  	_ =	shalt  }
0x6c: {  	_ =	shalt  }
0x6d: {  	_ =	shalt  }
0x6e: {  	_ =	shalt  }
0x6f: {  	_ =	shalt  }
0x70: {  	_ =	shalt  }
0x71: {  	_ =	shalt  }
0x72: {  	_ =	shalt  }
0x73: {  	_ =	shalt  }
0x74: {  	_ =	shalt  }
0x75: {  	_ =	shalt  }
0x76: {  	_ =	shalt  }
0x77: {  	_ =	shalt  }
0x78: {  	_ =	shalt  }
0x79: {  	_ =	shalt  }
0x7a: {  	_ =	shalt  }
0x7b: {  	_ =	shalt  }
0x7c: {  	_ =	shalt  }
0x7d: {  	_ =	shalt  }
0x7e: {  	_ =	shalt  }
0x7f: {  	_ =	shalt  }
0x80: {  	_ =	shalt  }
0x81: {  	_ =	shalt  }
0x82: {  	_ =	shalt  }
0x83: {  	_ =	shalt  }
0x84: {  	_ =	shalt  }
0x85: {  	_ =	shalt  }
0x86: {  	_ =	shalt  }
0x87: {  	_ =	shalt  }
.Lfunc_end0:
.L_simem_size_0:
called_computation_lowered:
.L_overlay_start_0:
0x88: {  	s2 =	sld [smem:$0x3FD9]  }
0x89: {  	s3 =	sld [smem:$0x3FFE];
	_ =	sdelay $0x1  }
0x8a: {  	s1 =	srdreg.scid  }
0x8b: {  	s0 =	sand.u32 $0x1, s1  }
0x8c: {  	s16 =	sshll.u32 s0, $0xA;
	s2 =	sadd.s32 s3, s2  }
0x8d: {  	s2 =	sadd.s32 s2, s16  }
0x8e: {  	[smem:$0x3FBE] =	sst s2  }
0x8f: {  	_ = 	snop  }
0x90: {  	(tm) =	ssettm $0x1  }
0x91: {  	s17 =	sld [smem:$0x3FFB];
	_ =	sdelay $0x3  }
0x92: {  	_ =	strace s17  }
0x93: {  	s2 =	sld [smem:$0x3FFC];
	_ =	sdelay $0x3  }
0x94: {  	_ =	strace s2  }
0x95: {  	s2 =	sld [smem:$0x3FFD];
	_ =	sdelay $0x3  }
0x96: {  	_ =	strace s2  }
0x97: {  	_ =	strace $0x8FFFFFFF  }
0x98: {  	s18 =	sld [smem:$0x3FDB];
	_ =	sdelay $0x1  }
0x99: {  	s19 =	simm.s32 $_scs_section_size  }
0x9a: {  	s4 =	simm.s32 $_size__tile_overlayer_lowered;
	s5 =	simm.s32 $_tile_overlayer_lowered  }
0x9b: {  	s22 =	simm.s32 $0x1BFF;
	s21 =	sshll.u32 s5, $0x1;
	s2 =	sadd.s32 s19, s18  }
0x9c: {  	s6 =	simm.s32 $0x0;
	s20 =	sshll.u32 s4, $0x1;
	s4 =	sadd.s32 s21, s2  }
0x9d: {  	[timem:s6], [sflag:s22] =	dma.local [hbm:s4], s20  }
0x9e: {  	_ =	swait.ge [sflag:s22], s20  }
0x9f: {  	s3 =	ssub.s32 $0x0, s20;
	[sflag:s22] =	ssyncset.done $0x0  }
0xa0: {  	[sflag:s22] =	ssyncadd.s32 s3;
	_ =	sdelay $0x1  }
0xa1: {  	s23 =	simm.s32 $0x1B8B  }
0xa2: {  	_ =	swait.ge [sflag:s23], $0x1  }
0xa3: {  	[sflag:s23] =	ssyncset.done $0x0  }
0xa4: {  	s25 =	simm.s32 $0x1B8E;
	s24 =	sld [smem:$0x3FFE];
	[sflag:s23] =	ssyncadd.s32 $0xFFFFFFFF  }
0xa5: {  	s26 =	simm.s32 $execute0_lowered;
	[smem:$0x3FD2] =	sst s25  }
0xa6: {  	s4 =	sshll.u32 s26, $0x1;
	_ =	strace $0x80000046;
	[dreg:$0x1] =	wrdreg $0xFFFFFFFF  }
0xa7: {  	s28 =	simm.s32 $_size_execute0_lowered;
	s2 =	sadd.s32 s2, s4;
	[dreg:$0x0] =	wrdreg $0x0  }
0xa8: {  	s4 =	sshll.u32 s28, $0x1;
	[dreg:$0x2] =	wrdreg s2  }
0xa9: {  	[dreg:$0x3] =	wrdreg s4  }
0xaa: {  	[dreg:$0x4] =	wrdreg $0xC0  }
0xab: {  	_ =	task [dreg:s6], $0x5FFFF  }
0xac: {  	[dreg:$0x1] =	wrdreg $0xFFFFFFFF  }
0xad: {  	[dreg:$0x0] =	wrdreg $0x60  }
0xae: {  	[dreg:$0x2] =	wrdreg s24  }
0xaf: {  	[dreg:$0x3] =	wrdreg $0x9  }
0xb0: {  	_ =	task.clear_ibuf [dreg:s6], $0x4FFFF;
	_ =	strace $0x90000046  }
0xb1: {  	s29 =	simm.s32 $0x9;
	_ =	strace $0x80000048  }
0xb2: {  	_ =	swait.ge [sflag:s29], $0x1  }
0xb3: {  	[sflag:s29] =	ssyncadd.s32 $0xFFFFFFFF  }
0xb4: {  	_ =	strace $0x90000048  }
0xb5: {  	_ =	sfence  }
0xb6: {  	s30 =	sld [smem:$0x0];
	_ =	sdelay $0x2  }
0xb7: {  	s31 =	sshll.u32 s1, $0xD;
	s1 =	sshrl.u32 s1, $0x2  }
0xb8: {  	s3 =	sand.u32 $0x4000, s31;
	s1 =	sadd.s32 s1, s30  }
0xb9: {  	s0 =	sor.u32 s3, s0;
	s1 =	sshll.u32 s1, $0x11  }
0xba: {  	s0 =	sor.u32 s1, s0  }
0xbb: {  	s0 =	sadd.s32 $0x8F2B, s0  }
0xbc: {  	[sflag:s0] =	ssyncadd.remote.s32 $0x1  }
0xbd: {  	_ =	sfence.sel $0xFFFF  }
0xbe: {  	[dreg:$0x0] =	wrdreg $0xFFFFFFFF;
	(pc) =	sbr.abs _section_cstart, $3  }
0xbf: {  	[dreg:$0x1] =	wrdreg $0xFFFFFFFF  }
0xc0: {  	_ =	task.clear_ibuf [dreg:s6], $0x2FFFF;
	_ =	strace $0x9FFFFFFF  }
0xc1: {  	(tm) =	ssettm $0x7FFFFFFF  }
tec
execute0_lowered:
.L_overlay_start_1:
0x0: {  	(tag) =	ssettag $0x1  }
0x1: {  	s0 =	srdreg.scid  }
0x2: {  	s11 =	stileid.u32;
	s1 =	rddreg [dreg:$0x0];
	s2 =	simm.s32 $0x0  }
0x3: {  	s28 =	simm.s32 $0x80;
	s29 =	simm.s32 $0x8100;
	s30 =	simm.s32 $0x8900  }
0x4: {  	s31 =	simm.s32 $0x9100;
	s12 =	simm.s32 $0xC900;
	s13 =	simm.s32 $0xD100  }
0x5: {  	s14 =	simm.s32 $0xD900;
	s15 =	simm.s32 $0xE100;
	s5 =	smul.u32 $0x280000, s11  }
0x6: {  	s16 =	simm.s32 $0xE900;
	s17 =	simm.s32 $0xF100;
	s10 =	smul.u32 $0x2800, s11  }
0x7: {  	s18 =	simm.s32 $0xF900;
	s0 =	sand.u32 $0x1, s0;
	s23 =	smul.u32 $0x50000, s11  }
0x8: {  	s3 =	sshll.u32 s11, $0x1;
	[smem:$0x7FF] =	sst s2;
	s8 =	smul.u32 $0x140000, s0  }
0x9: {  	s7 =	sadd.s32 $0x2000, s1;
	s11 =	simm.s32 $0x100;
	s19 =	smul.u32 $0x1400, s0  }
0xa: {  	s3 =	sor.u32 s0, s3;
	s6 =	ssub.s32 $0x2, s0;
	s0 =	smul.u32 $0x28000, s0  }
0xb: {  	_ =	strace $0x80000047;
	s4 =	smul.u32 $0x1400, s3;
	s9 =	sshrl.u32 s6, $0x1  }
0xc: {  	s3 =	sadd.s32 $0x7000, s1;
	s1 =	sadd.s32 $0x55200, s1;
	s6 =	ssub.s32 s6, s9  }
0xd: {  	s21 =	sadd.s32 s8, s5;
	s22 =	sadd.s32 s19, s10;
	s10 =	simm.s32 $0x3  }
0xe: {  	s9 =	simm.s32 $0xC100;
	s19 =	simm.s32 $0x1;
	s4 =	sshrl.u32 s4, $0x3  }
0xf: {  	s20 =	smax.u32 s6, $0x1;
	s24 =	sor.u32 $0x100, s22;
	s5 =	sor.u32 $0x80, s22  }
0x10: {  	s22 =	simm.s32 $0x0;
	s4 =	sadd.s32 s7, s4;
	[dreg:$0x3] =	wrdreg s20  }
0x11: {  	s25 =	sshrl.u32 s5, $0x3;
	s5 =	simm.s32 $0xB100;
	s20 =	simm.s32 $0x2  }
0x12: {  	[dreg:$0x2] =	wrdreg s4;
	s4 =	sshrl.u32 s21, $0x3;
	s26 =	sadd.s32 s25, s7  }
.Ltmp0:
0x13: {  	s25 =	simm.s32 $0x7100;
	s6 =	sadd.s32 s4, s1;
	(pc) =	sbr.rel .LBB2_1-.Ltmp0, $4  }
0x14: {  	s4 =	sshrl.u32 s24, $0x3;
	s1 =	sadd.s32 s23, s1;
	[dreg:$0x5] =	wrdreg s26  }
0x15: {  	v2 =	vlaneseq.u32;
	s26 =	simm.s32 $0x7900;
	s4 =	sadd.s32 s4, s7;
	s0 =	sadd.s32 s0, s1  }
0x16: {  	vm0 =	vmmov $0xffff;
	v1 =	vshrl.u32 v2, $0x3;
	s1 =	simm.s32 $0x9900;
	s7 =	simm.s32 $0xB900;
	[dreg:$0x4] =	wrdreg s4  }
0x17: {  	v0 =	vand.u32 $0x7, v2;
	v2 =	vor.u32 $0x8, v2;
	v1 =	vmul.u32 $0x8, v1;
	s8 =	sadd.s32 $0x1000, s0;
	s0 =	simm.s32 $0xA100;
	s4 =	simm.s32 $0xA900  }
.LBB2_5:
0x18: {  	s22 =	rddreg [dreg:$0x6]  }
0x19: {  	s21 =	rddreg [dreg:$0x3];
	s22 =	sadd.s32 $0x1, s22  }
0x1a: {  	p0 =	sne.s32 s22, s21  }
.Ltmp1:
0x1b: {  	_ = 	snop;
	(pc) =	sbr.rel @!p0 .LBB2_6-.Ltmp1, $1  }
0x1c: {  	_ =	sdelay $0x3  }
.LBB2_1:
0x1d: {  	[dreg:$0x6] =	wrdreg s22  }
0x1e: {  	s21 =	rddreg [dreg:$0x2]  }
0x1f: {  	[tilespmem:s2], [sflag:$0x3] =	stream.linear.gather [hbm4b:s21+s2], $0x80, $0x38;
	[tilespmem:$0x10100] =	vst v63  }
0x20: {  	_ =	swait.ge [sflag:s10], $0x80  }
0x21: {  	[sflag:s10] =	ssyncset.done $0x0  }
0x22: {  	[sflag:s10] =	ssyncadd.s32 $0xFFFFFF80  }
0x23: {  	v3 =	vld [tilespmem:$0x0];
	_ =	sdelay $0x4  }
0x24: {  	v4 =	vshll.u32 v3, $0x1  }
0x25: {  	v3 =	vand.u32 $0x7, v3;
	v4 =	vand.u32 $0xFFFFFFF0, v4  }
0x26: {  	v3 =	vor.u32 v3, v4  }
0x27: {  	v4 =	vperm.xlane v3, v0;
	_ =	sdelay $0x1  }
0x28: {  	v3 =	vperm.xlane v3, v2;
	v4 =	vadd.s32 v1, v4;
	_ =	sdelay $0x1  }
0x29: {  	v3 =	vadd.s32 v1, v3;
	_ =	sdelay $0x2  }
0x2a: {  	[tilespmem:s11], [sflag:$0x1] =	stream.indirect_vreg.gather [hbm4b:s3+s2], $0x80, v4, vm0, $0xb8;
	[tilespmem:$0x10100] =	vst v63  }
0x2b: {  	s24 =	simm.s32 $0x900  }
0x2c: {  	[tilespmem:s24], [sflag:$0x1] =	stream.indirect_vreg.gather [hbm4b:s3+s2], $0x80, v3, vm0, $0xb8;
	[tilespmem:$0x10100] =	vst v63  }
0x2d: {  	v3 =	vld [tilespmem:$0x10];
	_ =	sdelay $0x4  }
0x2e: {  	v57 =	vshll.u32 v3, $0x1  }
0x2f: {  	v3 =	vand.u32 $0x7, v3;
	v4 =	vand.u32 $0xFFFFFFF0, v57  }
0x30: {  	v3 =	vor.u32 v3, v4  }
0x31: {  	v4 =	vperm.xlane v3, v0;
	_ =	sdelay $0x1  }
0x32: {  	v3 =	vperm.xlane v3, v2;
	v4 =	vadd.s32 v1, v4;
	_ =	sdelay $0x1  }
0x33: {  	v3 =	vadd.s32 v1, v3;
	_ =	sdelay $0x1  }
0x34: {  	s22 =	simm.s32 $0x1100  }
0x35: {  	[tilespmem:s22], [sflag:$0x1] =	stream.indirect_vreg.gather [hbm4b:s3+s2], $0x80, v4, vm0, $0xb8;
	[tilespmem:$0x10100] =	vst v63  }
0x36: {  	s23 =	simm.s32 $0x1900  }
0x37: {  	[tilespmem:s23], [sflag:$0x1] =	stream.indirect_vreg.gather [hbm4b:s3+s2], $0x80, v3, vm0, $0xb8;
	[tilespmem:$0x10100] =	vst v63  }
0x38: {  	v3 =	vld [tilespmem:$0x20];
	_ =	sdelay $0x4  }
0x39: {  	v58 =	vshll.u32 v3, $0x1  }
0x3a: {  	v3 =	vand.u32 $0x7, v3;
	v4 =	vand.u32 $0xFFFFFFF0, v58  }
0x3b: {  	v3 =	vor.u32 v3, v4  }
0x3c: {  	v4 =	vperm.xlane v3, v0;
	_ =	sdelay $0x1  }
0x3d: {  	v3 =	vperm.xlane v3, v2;
	v4 =	vadd.s32 v1, v4;
	_ =	sdelay $0x1  }
0x3e: {  	v3 =	vadd.s32 v1, v3;
	_ =	sdelay $0x1  }
0x3f: {  	s24 =	simm.s32 $0x2100  }
0x40: {  	[tilespmem:s24], [sflag:$0x1] =	stream.indirect_vreg.gather [hbm4b:s3+s2], $0x80, v4, vm0, $0xb8;
	[tilespmem:$0x10100] =	vst v63  }
0x41: {  	s22 =	simm.s32 $0x2900  }
0x42: {  	[tilespmem:s22], [sflag:$0x1] =	stream.indirect_vreg.gather [hbm4b:s3+s2], $0x80, v3, vm0, $0xb8;
	[tilespmem:$0x10100] =	vst v63  }
0x43: {  	v3 =	vld [tilespmem:$0x30];
	_ =	sdelay $0x4  }
0x44: {  	v59 =	vshll.u32 v3, $0x1  }
0x45: {  	v3 =	vand.u32 $0x7, v3;
	v4 =	vand.u32 $0xFFFFFFF0, v59  }
0x46: {  	v3 =	vor.u32 v3, v4  }
0x47: {  	v4 =	vperm.xlane v3, v0;
	_ =	sdelay $0x1  }
0x48: {  	v3 =	vperm.xlane v3, v2;
	v4 =	vadd.s32 v1, v4;
	_ =	sdelay $0x1  }
0x49: {  	v3 =	vadd.s32 v1, v3;
	_ =	sdelay $0x1  }
0x4a: {  	s23 =	simm.s32 $0x3100  }
0x4b: {  	[tilespmem:s23], [sflag:$0x1] =	stream.indirect_vreg.gather [hbm4b:s3+s2], $0x80, v4, vm0, $0xb8;
	[tilespmem:$0x10100] =	vst v63  }
0x4c: {  	s24 =	simm.s32 $0x3900  }
0x4d: {  	[tilespmem:s24], [sflag:$0x1] =	stream.indirect_vreg.gather [hbm4b:s3+s2], $0x80, v3, vm0, $0xb8;
	[tilespmem:$0x10100] =	vst v63  }
0x4e: {  	v3 =	vld [tilespmem:$0x40];
	_ =	sdelay $0x4  }
0x4f: {  	v60 =	vshll.u32 v3, $0x1  }
0x50: {  	v3 =	vand.u32 $0x7, v3;
	v4 =	vand.u32 $0xFFFFFFF0, v60  }
0x51: {  	v3 =	vor.u32 v3, v4  }
0x52: {  	v4 =	vperm.xlane v3, v0;
	_ =	sdelay $0x1  }
0x53: {  	v3 =	vperm.xlane v3, v2;
	v4 =	vadd.s32 v1, v4;
	_ =	sdelay $0x1  }
0x54: {  	v3 =	vadd.s32 v1, v3;
	_ =	sdelay $0x1  }
0x55: {  	s22 =	simm.s32 $0x4100  }
0x56: {  	[tilespmem:s22], [sflag:$0x1] =	stream.indirect_vreg.gather [hbm4b:s3+s2], $0x80, v4, vm0, $0xb8;
	[tilespmem:$0x10100] =	vst v63  }
0x57: {  	s23 =	simm.s32 $0x4900  }
0x58: {  	[tilespmem:s23], [sflag:$0x1] =	stream.indirect_vreg.gather [hbm4b:s3+s2], $0x80, v3, vm0, $0xb8;
	[tilespmem:$0x10100] =	vst v63  }
0x59: {  	v3 =	vld [tilespmem:$0x50];
	_ =	sdelay $0x4  }
0x5a: {  	v61 =	vshll.u32 v3, $0x1  }
0x5b: {  	v3 =	vand.u32 $0x7, v3;
	v4 =	vand.u32 $0xFFFFFFF0, v61  }
0x5c: {  	v3 =	vor.u32 v3, v4  }
0x5d: {  	v4 =	vperm.xlane v3, v0;
	_ =	sdelay $0x1  }
0x5e: {  	v3 =	vperm.xlane v3, v2;
	v4 =	vadd.s32 v1, v4;
	_ =	sdelay $0x1  }
0x5f: {  	v3 =	vadd.s32 v1, v3;
	_ =	sdelay $0x1  }
0x60: {  	s24 =	simm.s32 $0x5100  }
0x61: {  	[tilespmem:s24], [sflag:$0x1] =	stream.indirect_vreg.gather [hbm4b:s3+s2], $0x80, v4, vm0, $0xb8;
	[tilespmem:$0x10100] =	vst v63  }
0x62: {  	s22 =	simm.s32 $0x5900  }
0x63: {  	[tilespmem:s22], [sflag:$0x1] =	stream.indirect_vreg.gather [hbm4b:s3+s2], $0x80, v3, vm0, $0xb8;
	[tilespmem:$0x10100] =	vst v63  }
0x64: {  	v3 =	vld [tilespmem:$0x60];
	_ =	sdelay $0x4  }
0x65: {  	v62 =	vshll.u32 v3, $0x1  }
0x66: {  	v3 =	vand.u32 $0x7, v3;
	v4 =	vand.u32 $0xFFFFFFF0, v62  }
0x67: {  	v3 =	vor.u32 v3, v4  }
0x68: {  	v4 =	vperm.xlane v3, v0;
	_ =	sdelay $0x1  }
0x69: {  	v3 =	vperm.xlane v3, v2;
	v4 =	vadd.s32 v1, v4;
	_ =	sdelay $0x1  }
0x6a: {  	v3 =	vadd.s32 v1, v3;
	_ =	sdelay $0x1  }
0x6b: {  	s23 =	simm.s32 $0x6100  }
0x6c: {  	[tilespmem:s23], [sflag:$0x1] =	stream.indirect_vreg.gather [hbm4b:s3+s2], $0x80, v4, vm0, $0xb8;
	[tilespmem:$0x10100] =	vst v63  }
0x6d: {  	s24 =	simm.s32 $0x6900  }
0x6e: {  	[tilespmem:s24], [sflag:$0x1] =	stream.indirect_vreg.gather [hbm4b:s3+s2], $0x80, v3, vm0, $0xb8;
	[tilespmem:$0x10100] =	vst v63  }
0x6f: {  	v3 =	vld [tilespmem:$0x70];
	_ =	sdelay $0x4  }
0x70: {  	v63 =	vshll.u32 v3, $0x1  }
0x71: {  	v3 =	vand.u32 $0x7, v3;
	v4 =	vand.u32 $0xFFFFFFF0, v63  }
0x72: {  	v3 =	vor.u32 v3, v4  }
0x73: {  	v4 =	vperm.xlane v3, v0;
	_ =	sdelay $0x1  }
0x74: {  	v3 =	vperm.xlane v3, v2;
	v4 =	vadd.s32 v1, v4;
	_ =	sdelay $0x1  }
0x75: {  	v3 =	vadd.s32 v1, v3  }
.Ltmp2:
0x76: {  	_ = 	snop;
	(pc) =	sbr.rel .LBB2_2-.Ltmp2, $4  }
0x77: {  	s21 =	rddreg [dreg:$0x5]  }
0x78: {  	[tilespmem:s25], [sflag:$0x1] =	stream.indirect_vreg.gather [hbm4b:s3+s2], $0x80, v4, vm0, $0xb8;
	[tilespmem:$0x10100] =	vst v63  }
0x79: {  	s22 =	rddreg [dreg:$0x4];
	s23 =	simm.s32 $0x0  }
0x7a: {  	[tilespmem:s26], [sflag:$0x1] =	stream.indirect_vreg.gather [hbm4b:s3+s2], $0x80, v3, vm0, $0xb8;
	[tilespmem:$0x10100] =	vst v63  }
.LBB2_4:
0x7b: {  	_ =	swait.ge [sflag:s20], $0x8000;
	s24 =	sadd.s32 s23, s8;
	s23 =	sadd.s32 $0x2000, s23  }
0x7c: {  	[sflag:s20] =	ssyncset.done $0x0;
	p0 =	sne.s32 s23, $0x28000  }
.Ltmp3:
0x7d: {  	[sflag:s20] =	ssyncadd.s32 $0xFFFF8000;
	(pc) =	sbr.rel @!p0 .LBB2_5-.Ltmp3, $4  }
0x7e: {  	[hbm4b:s24+s2] =	stream.linear.scatter [tilespmem:s29], [sflag:$0x3], $0x8000, $0x38;
	[tilespmem:$0x10100] =	vst v63  }
0x7f: {  	_ =	swait.ge [sflag:s10], $0x8000  }
0x80: {  	[sflag:s10] =	ssyncset.done $0x0  }
0x81: {  	s22 =	sadd.s32 $0x20, s22;
	s21 =	sadd.s32 $0x20, s21;
	[sflag:s10] =	ssyncadd.s32 $0xFFFF8000  }
.LBB2_2:
0x82: {  	[tilespmem:s28], [sflag:$0x3] =	stream.linear.gather [hbm4b:s21+s2], $0x80, $0x38;
	[tilespmem:$0x10100] =	vst v63  }
0x83: {  	_ =	swait.ge [sflag:s10], $0x80  }
0x84: {  	[sflag:s10] =	ssyncset.done $0x0  }
0x85: {  	[sflag:s10] =	ssyncadd.s32 $0xFFFFFF80  }
0x86: {  	v3 =	vld [tilespmem:$0x80];
	_ =	sdelay $0x4  }
0x87: {  	v4 =	vshll.u32 v3, $0x1  }
0x88: {  	v3 =	vand.u32 $0x7, v3;
	v4 =	vand.u32 $0xFFFFFFF0, v4  }
0x89: {  	v3 =	vor.u32 v3, v4  }
0x8a: {  	v4 =	vperm.xlane v3, v0;
	_ =	sdelay $0x1  }
0x8b: {  	v3 =	vperm.xlane v3, v2;
	v4 =	vadd.s32 v1, v4;
	_ =	sdelay $0x1  }
0x8c: {  	v3 =	vadd.s32 v1, v3;
	_ =	sdelay $0x2  }
0x8d: {  	[tilespmem:s29], [sflag:$0x2] =	stream.indirect_vreg.gather [hbm4b:s3+s2], $0x80, v4, vm0, $0xb8;
	[tilespmem:$0x10100] =	vst v63  }
0x8e: {  	_ = 	snop  }
0x8f: {  	[tilespmem:s30], [sflag:$0x2] =	stream.indirect_vreg.gather [hbm4b:s3+s2], $0x80, v3, vm0, $0xb8;
	[tilespmem:$0x10100] =	vst v63  }
0x90: {  	v3 =	vld [tilespmem:$0x90];
	_ =	sdelay $0x4  }
0x91: {  	v57 =	vshll.u32 v3, $0x1  }
0x92: {  	v3 =	vand.u32 $0x7, v3;
	v4 =	vand.u32 $0xFFFFFFF0, v57  }
0x93: {  	v3 =	vor.u32 v3, v4  }
0x94: {  	v4 =	vperm.xlane v3, v0;
	_ =	sdelay $0x1  }
0x95: {  	v3 =	vperm.xlane v3, v2;
	v4 =	vadd.s32 v1, v4;
	_ =	sdelay $0x1  }
0x96: {  	v3 =	vadd.s32 v1, v3;
	_ =	sdelay $0x2  }
0x97: {  	[tilespmem:s31], [sflag:$0x2] =	stream.indirect_vreg.gather [hbm4b:s3+s2], $0x80, v4, vm0, $0xb8;
	[tilespmem:$0x10100] =	vst v63  }
0x98: {  	_ = 	snop  }
0x99: {  	[tilespmem:s1], [sflag:$0x2] =	stream.indirect_vreg.gather [hbm4b:s3+s2], $0x80, v3, vm0, $0xb8;
	[tilespmem:$0x10100] =	vst v63  }
0x9a: {  	v3 =	vld [tilespmem:$0xA0];
	_ =	sdelay $0x4  }
0x9b: {  	v58 =	vshll.u32 v3, $0x1  }
0x9c: {  	v3 =	vand.u32 $0x7, v3;
	v4 =	vand.u32 $0xFFFFFFF0, v58  }
0x9d: {  	v3 =	vor.u32 v3, v4  }
0x9e: {  	v4 =	vperm.xlane v3, v0;
	_ =	sdelay $0x1  }
0x9f: {  	v3 =	vperm.xlane v3, v2;
	v4 =	vadd.s32 v1, v4;
	_ =	sdelay $0x1  }
0xa0: {  	v3 =	vadd.s32 v1, v3;
	_ =	sdelay $0x2  }
0xa1: {  	[tilespmem:s0], [sflag:$0x2] =	stream.indirect_vreg.gather [hbm4b:s3+s2], $0x80, v4, vm0, $0xb8;
	[tilespmem:$0x10100] =	vst v63  }
0xa2: {  	_ = 	snop  }
0xa3: {  	[tilespmem:s4], [sflag:$0x2] =	stream.indirect_vreg.gather [hbm4b:s3+s2], $0x80, v3, vm0, $0xb8;
	[tilespmem:$0x10100] =	vst v63  }
0xa4: {  	v3 =	vld [tilespmem:$0xB0];
	_ =	sdelay $0x4  }
0xa5: {  	v59 =	vshll.u32 v3, $0x1  }
0xa6: {  	v3 =	vand.u32 $0x7, v3;
	v4 =	vand.u32 $0xFFFFFFF0, v59  }
0xa7: {  	v3 =	vor.u32 v3, v4  }
0xa8: {  	v4 =	vperm.xlane v3, v0;
	_ =	sdelay $0x1  }
0xa9: {  	v3 =	vperm.xlane v3, v2;
	v4 =	vadd.s32 v1, v4;
	_ =	sdelay $0x1  }
0xaa: {  	v3 =	vadd.s32 v1, v3;
	_ =	sdelay $0x2  }
0xab: {  	[tilespmem:s5], [sflag:$0x2] =	stream.indirect_vreg.gather [hbm4b:s3+s2], $0x80, v4, vm0, $0xb8;
	[tilespmem:$0x10100] =	vst v63  }
0xac: {  	_ = 	snop  }
0xad: {  	[tilespmem:s7], [sflag:$0x2] =	stream.indirect_vreg.gather [hbm4b:s3+s2], $0x80, v3, vm0, $0xb8;
	[tilespmem:$0x10100] =	vst v63  }
0xae: {  	v3 =	vld [tilespmem:$0xC0];
	_ =	sdelay $0x4  }
0xaf: {  	v60 =	vshll.u32 v3, $0x1  }
0xb0: {  	v3 =	vand.u32 $0x7, v3;
	v4 =	vand.u32 $0xFFFFFFF0, v60  }
0xb1: {  	v3 =	vor.u32 v3, v4  }
0xb2: {  	v4 =	vperm.xlane v3, v0;
	_ =	sdelay $0x1  }
0xb3: {  	v3 =	vperm.xlane v3, v2;
	v4 =	vadd.s32 v1, v4;
	_ =	sdelay $0x1  }
0xb4: {  	v3 =	vadd.s32 v1, v3;
	_ =	sdelay $0x2  }
0xb5: {  	[tilespmem:s9], [sflag:$0x2] =	stream.indirect_vreg.gather [hbm4b:s3+s2], $0x80, v4, vm0, $0xb8;
	[tilespmem:$0x10100] =	vst v63  }
0xb6: {  	_ = 	snop  }
0xb7: {  	[tilespmem:s12], [sflag:$0x2] =	stream.indirect_vreg.gather [hbm4b:s3+s2], $0x80, v3, vm0, $0xb8;
	[tilespmem:$0x10100] =	vst v63  }
0xb8: {  	v3 =	vld [tilespmem:$0xD0];
	_ =	sdelay $0x4  }
0xb9: {  	v61 =	vshll.u32 v3, $0x1  }
0xba: {  	v3 =	vand.u32 $0x7, v3;
	v4 =	vand.u32 $0xFFFFFFF0, v61  }
0xbb: {  	v3 =	vor.u32 v3, v4  }
0xbc: {  	v4 =	vperm.xlane v3, v0;
	_ =	sdelay $0x1  }
0xbd: {  	v3 =	vperm.xlane v3, v2;
	v4 =	vadd.s32 v1, v4;
	_ =	sdelay $0x1  }
0xbe: {  	v3 =	vadd.s32 v1, v3;
	_ =	sdelay $0x2  }
0xbf: {  	[tilespmem:s13], [sflag:$0x2] =	stream.indirect_vreg.gather [hbm4b:s3+s2], $0x80, v4, vm0, $0xb8;
	[tilespmem:$0x10100] =	vst v63  }
0xc0: {  	_ = 	snop  }
0xc1: {  	[tilespmem:s14], [sflag:$0x2] =	stream.indirect_vreg.gather [hbm4b:s3+s2], $0x80, v3, vm0, $0xb8;
	[tilespmem:$0x10100] =	vst v63  }
0xc2: {  	v3 =	vld [tilespmem:$0xE0];
	_ =	sdelay $0x4  }
0xc3: {  	v62 =	vshll.u32 v3, $0x1  }
0xc4: {  	v3 =	vand.u32 $0x7, v3;
	v4 =	vand.u32 $0xFFFFFFF0, v62  }
0xc5: {  	v3 =	vor.u32 v3, v4  }
0xc6: {  	v4 =	vperm.xlane v3, v0;
	_ =	sdelay $0x1  }
0xc7: {  	v3 =	vperm.xlane v3, v2;
	v4 =	vadd.s32 v1, v4;
	_ =	sdelay $0x1  }
0xc8: {  	v3 =	vadd.s32 v1, v3;
	_ =	sdelay $0x2  }
0xc9: {  	[tilespmem:s15], [sflag:$0x2] =	stream.indirect_vreg.gather [hbm4b:s3+s2], $0x80, v4, vm0, $0xb8;
	[tilespmem:$0x10100] =	vst v63  }
0xca: {  	_ = 	snop  }
0xcb: {  	[tilespmem:s16], [sflag:$0x2] =	stream.indirect_vreg.gather [hbm4b:s3+s2], $0x80, v3, vm0, $0xb8;
	[tilespmem:$0x10100] =	vst v63  }
0xcc: {  	v3 =	vld [tilespmem:$0xF0];
	_ =	sdelay $0x4  }
0xcd: {  	v63 =	vshll.u32 v3, $0x1  }
0xce: {  	v3 =	vand.u32 $0x7, v3;
	v4 =	vand.u32 $0xFFFFFFF0, v63  }
0xcf: {  	v3 =	vor.u32 v3, v4  }
0xd0: {  	v4 =	vperm.xlane v3, v0;
	_ =	sdelay $0x1  }
0xd1: {  	v3 =	vperm.xlane v3, v2;
	v4 =	vadd.s32 v1, v4;
	_ =	sdelay $0x1  }
0xd2: {  	v3 =	vadd.s32 v1, v3;
	_ =	sdelay $0x2  }
0xd3: {  	[tilespmem:s17], [sflag:$0x2] =	stream.indirect_vreg.gather [hbm4b:s3+s2], $0x80, v4, vm0, $0xb8;
	[tilespmem:$0x10100] =	vst v63  }
0xd4: {  	_ = 	snop  }
0xd5: {  	[tilespmem:s18], [sflag:$0x2] =	stream.indirect_vreg.gather [hbm4b:s3+s2], $0x80, v3, vm0, $0xb8;
	[tilespmem:$0x10100] =	vst v63  }
0xd6: {  	_ =	swait.ge [sflag:s19], $0x8000  }
0xd7: {  	p0 =	seq.s32 s23, $0x26000;
	[sflag:s19] =	ssyncset.done $0x0  }
.Ltmp4:
0xd8: {  	s24 =	sadd.s32 s23, s6;
	[sflag:s19] =	ssyncadd.s32 $0xFFFF8000;
	(pc) =	sbr.rel @p0 .LBB2_4-.Ltmp4, $4  }
0xd9: {  	[hbm4b:s24+s2] =	stream.linear.scatter [tilespmem:s11], [sflag:$0x3], $0x8000, $0x38;
	[tilespmem:$0x10100] =	vst v63  }
0xda: {  	_ =	swait.ge [sflag:s10], $0x8000  }
0xdb: {  	[sflag:s10] =	ssyncset.done $0x0  }
0xdc: {  	[sflag:s10] =	ssyncadd.s32 $0xFFFF8000  }
0xdd: {  	[tilespmem:s2], [sflag:$0x3] =	stream.linear.gather [hbm4b:s22+s2], $0x80, $0x38;
	[tilespmem:$0x10100] =	vst v63  }
0xde: {  	_ =	swait.ge [sflag:s10], $0x80  }
0xdf: {  	[sflag:s10] =	ssyncset.done $0x0  }
0xe0: {  	[sflag:s10] =	ssyncadd.s32 $0xFFFFFF80  }
0xe1: {  	v3 =	vld [tilespmem:$0x0];
	_ =	sdelay $0x4  }
0xe2: {  	v4 =	vshll.u32 v3, $0x1  }
0xe3: {  	v3 =	vand.u32 $0x7, v3;
	v4 =	vand.u32 $0xFFFFFFF0, v4  }
0xe4: {  	v3 =	vor.u32 v3, v4  }
0xe5: {  	v4 =	vperm.xlane v3, v0;
	_ =	sdelay $0x1  }
0xe6: {  	v3 =	vperm.xlane v3, v2;
	v4 =	vadd.s32 v1, v4;
	_ =	sdelay $0x1  }
0xe7: {  	v3 =	vadd.s32 v1, v3;
	_ =	sdelay $0x2  }
0xe8: {  	[tilespmem:s11], [sflag:$0x1] =	stream.indirect_vreg.gather [hbm4b:s3+s2], $0x80, v4, vm0, $0xb8;
	[tilespmem:$0x10100] =	vst v63  }
0xe9: {  	s24 =	simm.s32 $0x900  }
0xea: {  	[tilespmem:s24], [sflag:$0x1] =	stream.indirect_vreg.gather [hbm4b:s3+s2], $0x80, v3, vm0, $0xb8;
	[tilespmem:$0x10100] =	vst v63  }
0xeb: {  	v3 =	vld [tilespmem:$0x10];
	_ =	sdelay $0x4  }
0xec: {  	v57 =	vshll.u32 v3, $0x1  }
0xed: {  	v3 =	vand.u32 $0x7, v3;
	v4 =	vand.u32 $0xFFFFFFF0, v57  }
0xee: {  	v3 =	vor.u32 v3, v4  }
0xef: {  	v4 =	vperm.xlane v3, v0;
	_ =	sdelay $0x1  }
0xf0: {  	v3 =	vperm.xlane v3, v2;
	v4 =	vadd.s32 v1, v4;
	_ =	sdelay $0x1  }
0xf1: {  	v3 =	vadd.s32 v1, v3;
	_ =	sdelay $0x1  }
0xf2: {  	s24 =	simm.s32 $0x1100  }
0xf3: {  	[tilespmem:s24], [sflag:$0x1] =	stream.indirect_vreg.gather [hbm4b:s3+s2], $0x80, v4, vm0, $0xb8;
	[tilespmem:$0x10100] =	vst v63  }
0xf4: {  	s24 =	simm.s32 $0x1900  }
0xf5: {  	[tilespmem:s24], [sflag:$0x1] =	stream.indirect_vreg.gather [hbm4b:s3+s2], $0x80, v3, vm0, $0xb8;
	[tilespmem:$0x10100] =	vst v63  }
0xf6: {  	v3 =	vld [tilespmem:$0x20];
	_ =	sdelay $0x4  }
0xf7: {  	v58 =	vshll.u32 v3, $0x1  }
0xf8: {  	v3 =	vand.u32 $0x7, v3;
	v4 =	vand.u32 $0xFFFFFFF0, v58  }
0xf9: {  	v3 =	vor.u32 v3, v4  }
0xfa: {  	v4 =	vperm.xlane v3, v0;
	_ =	sdelay $0x1  }
0xfb: {  	v3 =	vperm.xlane v3, v2;
	v4 =	vadd.s32 v1, v4;
	_ =	sdelay $0x1  }
0xfc: {  	v3 =	vadd.s32 v1, v3;
	_ =	sdelay $0x1  }
0xfd: {  	s24 =	simm.s32 $0x2100  }
0xfe: {  	[tilespmem:s24], [sflag:$0x1] =	stream.indirect_vreg.gather [hbm4b:s3+s2], $0x80, v4, vm0, $0xb8;
	[tilespmem:$0x10100] =	vst v63  }
0xff: {  	s24 =	simm.s32 $0x2900  }
0x100: {  	[tilespmem:s24], [sflag:$0x1] =	stream.indirect_vreg.gather [hbm4b:s3+s2], $0x80, v3, vm0, $0xb8;
	[tilespmem:$0x10100] =	vst v63  }
0x101: {  	v3 =	vld [tilespmem:$0x30];
	_ =	sdelay $0x4  }
0x102: {  	v59 =	vshll.u32 v3, $0x1  }
0x103: {  	v3 =	vand.u32 $0x7, v3;
	v4 =	vand.u32 $0xFFFFFFF0, v59  }
0x104: {  	v3 =	vor.u32 v3, v4  }
0x105: {  	v4 =	vperm.xlane v3, v0;
	_ =	sdelay $0x1  }
0x106: {  	v3 =	vperm.xlane v3, v2;
	v4 =	vadd.s32 v1, v4;
	_ =	sdelay $0x1  }
0x107: {  	v3 =	vadd.s32 v1, v3;
	_ =	sdelay $0x1  }
0x108: {  	s24 =	simm.s32 $0x3100  }
0x109: {  	[tilespmem:s24], [sflag:$0x1] =	stream.indirect_vreg.gather [hbm4b:s3+s2], $0x80, v4, vm0, $0xb8;
	[tilespmem:$0x10100] =	vst v63  }
0x10a: {  	s24 =	simm.s32 $0x3900  }
0x10b: {  	[tilespmem:s24], [sflag:$0x1] =	stream.indirect_vreg.gather [hbm4b:s3+s2], $0x80, v3, vm0, $0xb8;
	[tilespmem:$0x10100] =	vst v63  }
0x10c: {  	v3 =	vld [tilespmem:$0x40];
	_ =	sdelay $0x4  }
0x10d: {  	v60 =	vshll.u32 v3, $0x1  }
0x10e: {  	v3 =	vand.u32 $0x7, v3;
	v4 =	vand.u32 $0xFFFFFFF0, v60  }
0x10f: {  	v3 =	vor.u32 v3, v4  }
0x110: {  	v4 =	vperm.xlane v3, v0;
	_ =	sdelay $0x1  }
0x111: {  	v3 =	vperm.xlane v3, v2;
	v4 =	vadd.s32 v1, v4;
	_ =	sdelay $0x1  }
0x112: {  	v3 =	vadd.s32 v1, v3;
	_ =	sdelay $0x1  }
0x113: {  	s24 =	simm.s32 $0x4100  }
0x114: {  	[tilespmem:s24], [sflag:$0x1] =	stream.indirect_vreg.gather [hbm4b:s3+s2], $0x80, v4, vm0, $0xb8;
	[tilespmem:$0x10100] =	vst v63  }
0x115: {  	s24 =	simm.s32 $0x4900  }
0x116: {  	[tilespmem:s24], [sflag:$0x1] =	stream.indirect_vreg.gather [hbm4b:s3+s2], $0x80, v3, vm0, $0xb8;
	[tilespmem:$0x10100] =	vst v63  }
0x117: {  	v3 =	vld [tilespmem:$0x50];
	_ =	sdelay $0x4  }
0x118: {  	v61 =	vshll.u32 v3, $0x1  }
0x119: {  	v3 =	vand.u32 $0x7, v3;
	v4 =	vand.u32 $0xFFFFFFF0, v61  }
0x11a: {  	v3 =	vor.u32 v3, v4  }
0x11b: {  	v4 =	vperm.xlane v3, v0;
	_ =	sdelay $0x1  }
0x11c: {  	v3 =	vperm.xlane v3, v2;
	v4 =	vadd.s32 v1, v4;
	_ =	sdelay $0x1  }
0x11d: {  	v3 =	vadd.s32 v1, v3;
	_ =	sdelay $0x1  }
0x11e: {  	s24 =	simm.s32 $0x5100  }
0x11f: {  	[tilespmem:s24], [sflag:$0x1] =	stream.indirect_vreg.gather [hbm4b:s3+s2], $0x80, v4, vm0, $0xb8;
	[tilespmem:$0x10100] =	vst v63  }
0x120: {  	s24 =	simm.s32 $0x5900  }
0x121: {  	[tilespmem:s24], [sflag:$0x1] =	stream.indirect_vreg.gather [hbm4b:s3+s2], $0x80, v3, vm0, $0xb8;
	[tilespmem:$0x10100] =	vst v63  }
0x122: {  	v3 =	vld [tilespmem:$0x60];
	_ =	sdelay $0x4  }
0x123: {  	v62 =	vshll.u32 v3, $0x1  }
0x124: {  	v3 =	vand.u32 $0x7, v3;
	v4 =	vand.u32 $0xFFFFFFF0, v62  }
0x125: {  	v3 =	vor.u32 v3, v4  }
0x126: {  	v4 =	vperm.xlane v3, v0;
	_ =	sdelay $0x1  }
0x127: {  	v3 =	vperm.xlane v3, v2;
	v4 =	vadd.s32 v1, v4;
	_ =	sdelay $0x1  }
0x128: {  	v3 =	vadd.s32 v1, v3;
	_ =	sdelay $0x1  }
0x129: {  	s24 =	simm.s32 $0x6100  }
0x12a: {  	[tilespmem:s24], [sflag:$0x1] =	stream.indirect_vreg.gather [hbm4b:s3+s2], $0x80, v4, vm0, $0xb8;
	[tilespmem:$0x10100] =	vst v63  }
0x12b: {  	s24 =	simm.s32 $0x6900  }
0x12c: {  	[tilespmem:s24], [sflag:$0x1] =	stream.indirect_vreg.gather [hbm4b:s3+s2], $0x80, v3, vm0, $0xb8;
	[tilespmem:$0x10100] =	vst v63  }
0x12d: {  	v3 =	vld [tilespmem:$0x70];
	_ =	sdelay $0x4  }
0x12e: {  	v63 =	vshll.u32 v3, $0x1  }
0x12f: {  	v3 =	vand.u32 $0x7, v3;
	v4 =	vand.u32 $0xFFFFFFF0, v63  }
0x130: {  	v3 =	vor.u32 v3, v4  }
0x131: {  	v4 =	vperm.xlane v3, v0;
	_ =	sdelay $0x1  }
0x132: {  	v3 =	vperm.xlane v3, v2;
	v4 =	vadd.s32 v1, v4;
	_ =	sdelay $0x1  }
0x133: {  	v3 =	vadd.s32 v1, v3  }
.Ltmp5:
0x134: {  	_ = 	snop;
	(pc) =	sbr.rel .LBB2_4-.Ltmp5, $4  }
0x135: {  	_ = 	snop  }
0x136: {  	[tilespmem:s25], [sflag:$0x1] =	stream.indirect_vreg.gather [hbm4b:s3+s2], $0x80, v4, vm0, $0xb8;
	[tilespmem:$0x10100] =	vst v63  }
0x137: {  	_ = 	snop  }
0x138: {  	[tilespmem:s26], [sflag:$0x1] =	stream.indirect_vreg.gather [hbm4b:s3+s2], $0x80, v3, vm0, $0xb8;
	[tilespmem:$0x10100] =	vst v63  }
.LBB2_6:
0x139: {  	_ =	sfence.sel $0x180000  }
0x13a: {  	[bflag:$0x0] =	sbarrier.arrive $0xFFFF  }
0x13b: {  	_ =	strace $0x90000047  }
0x13c: {  	s0 =	stileid.u32;
	[bflag:$0x2] =	sbarrier.arrive $0xFFFF  }
0x13d: {  	p0 =	sne.s32 s0, $0x0;
	s0 =	rddreg [dreg:$0x1]  }
0x13e: {  	s0 =	sadd.s32 @!p0 $0x100000, s0  }
0x13f: {  	[sflag:s0] =	ssyncadd.tile.s32 @!p0 $0x1;
	_ =	shalt  }
.Lfunc_end2:
_tile_overlayer_lowered:
.L_overlay_start_2:
0x140: {  	(tag) =	ssettag $0x2  }
0x141: {  	s0 =	rddreg [dreg:$0x0];
	s2 =	stileid.u32  }
0x142: {  	s1 =	rddreg [dreg:$0x1];
	p0 =	sne.s32 s2, $0x0  }
0x143: {  	s3 =	rddreg [dreg:$0x2];
	[bflag:$0x3] =	sbarrier.arrive $0xFFFF;
	s2 =	simm.s32 @!p0 $0x1C03  }
0x144: {  	[timem:s3], [sflag:s2] =	dma.local @!p0 [hbm:s0], s1  }
0x145: {  	s0 =	simm.s32 @!p0 $0x3  }
0x146: {  	_ =	swait.ge @!p0 [sflag:s0], s1  }
0x147: {  	s1 =	ssub.s32 @!p0 $0x0, s1;
	[sflag:s0] =	ssyncset.done @!p0 $0x0  }
0x148: {  	[sflag:s0] =	ssyncadd.s32 @!p0 s1  }
0x149: {  	[bflag:$0x3] =	sbarrier.arrive $0xFFFF  }
0x14a: {  	_ =	shalt  }

</sc_bundles>
